<compile_context>
chip_gen: v7x
topology: tpu7x:2x2x1
jax: 0.10.2.dev20260603
libtpu: 0.0.44.dev20260713+nightly
codegen_flags: <defaults>
</compile_context>

<pallas_src>
import functools

import jax
import jax.numpy as jnp
from jax import lax
from jax.experimental import pallas as pl
from jax.experimental.pallas import tpu as pltpu
from jax.experimental.pallas import tpu_sc as plsc

_D = 32
_H = 64
_NC = 2
_NS = 16
_NW = _NC * _NS
_CHUNK = 128


def _sc_gather_one(T, id2d, B):
    b_per_w = B // _NW
    n_chunks = b_per_w // _CHUNK
    mesh = plsc.VectorSubcoreMesh(core_axis_name="c", subcore_axis_name="s")
    out_t = jax.ShapeDtypeStruct((B, _D), jnp.float32)

    @functools.partial(
        pl.kernel, mesh=mesh,
        out_type=out_t,
        compiler_params=pltpu.CompilerParams(use_tc_tiling_on_sc=False),
        scratch_types=[
            pltpu.VMEM((n_chunks, _CHUNK), jnp.int32),
            pltpu.VMEM((b_per_w, _D), jnp.float32),
            pltpu.SemaphoreType.DMA,
        ],
    )
    def k(t_hbm, id_hbm, o_hbm, idx_v, rows_v, sem):
        wid = lax.axis_index("s") * _NC + lax.axis_index("c")
        base = wid * b_per_w
        pltpu.sync_copy(id_hbm.at[pl.ds(wid * n_chunks, n_chunks)], idx_v)
        handles = []
        for j in range(n_chunks):
            dst = pl.ds(j * _CHUNK, _CHUNK)
            handles.append(pltpu.async_copy(
                t_hbm.at[idx_v.at[j]], rows_v.at[dst], sem))
        for h in handles:
            h.wait()
        pltpu.sync_copy(rows_v, o_hbm.at[pl.ds(base, b_per_w)])

    return k(T, id2d)


def _dense_body(u_ref, i_ref, w1_ref, b1_ref, w2_ref, b2_ref,
                pred_ref, score_ref):
    u = u_ref[...]
    i = i_ref[...]
    m = u * i
    pred_ref[...] = jnp.sum(m, axis=1)
    w1 = w1_ref[...]
    h = (
        jnp.dot(u, w1[0:_D], preferred_element_type=jnp.float32)
        + jnp.dot(i, w1[_D:2 * _D], preferred_element_type=jnp.float32)
        + jnp.dot(m, w1[2 * _D:3 * _D], preferred_element_type=jnp.float32)
        + b1_ref[...]
    )
    h = jnp.maximum(h, 0.0)
    score_ref[...] = jnp.sum(h * w2_ref[...], axis=1) + b2_ref[0, 0]


def _tc_dense(ue, ie, W1, b1, W2, b2):
    B = ue.shape[0]
    out_t = jax.ShapeDtypeStruct((B,), jnp.float32)
    return pl.pallas_call(
        _dense_body,
        out_shape=(out_t, out_t),
    )(ue, ie, W1, b1.reshape(1, _H), W2.reshape(1, _H), b2.reshape(1, 1))


def kernel(user_ids, item_ids, U, I, A, B, W1, b1, W2, b2):
    batch = user_ids.shape[0]
    uid2d = user_ids.reshape(batch // _CHUNK, _CHUNK)
    iid2d = item_ids.reshape(batch // _CHUNK, _CHUNK)
    ue = _sc_gather_one(U, uid2d, batch)
    ie = _sc_gather_one(I, iid2d, batch)
    predictions, score = _tc_dense(ue, ie, W1, b1, W2, b2)
    return predictions, score

# --- scband reference (transcript-rebuilt; emitter-appended) ---
"""Pipeline reference for scband-multi-task-net-37048387895362 (READ-ONLY COPY).

The authoritative reference and input builder live on the scoring server;
editing this copy changes nothing except your own understanding.
"""

import jax, jax.numpy as jnp
import numpy as np

NUM_USERS = 1000000
NUM_ITEMS = 1000000
EMBED_DIM = 32
BATCH = 16384


def setup_inputs(seed: int = 0) -> dict:
    key = jax.random.key(seed)
    ks = jax.random.split(key, 8)
    user_ids = jax.random.randint(ks[0], (BATCH,), 0, NUM_USERS, dtype=jnp.int64 if jax.config.jax_enable_x64 else jnp.int32)
    item_ids = jax.random.randint(ks[1], (BATCH,), 0, NUM_ITEMS, dtype=jnp.int64 if jax.config.jax_enable_x64 else jnp.int32)
    # ScaledEmbedding: normal(0, 1/embedding_dim)
    U = jax.random.normal(ks[2], (NUM_USERS, EMBED_DIM), dtype=jnp.float32) * (1.0 / EMBED_DIM)
    I = jax.random.normal(ks[3], (NUM_ITEMS, EMBED_DIM), dtype=jnp.float32) * (1.0 / EMBED_DIM)
    # ZeroEmbedding biases
    A = jnp.zeros((NUM_USERS, 1), dtype=jnp.float32)
    B = jnp.zeros((NUM_ITEMS, 1), dtype=jnp.float32)
    # MLP: Linear(96 -> 64), ReLU, Linear(64 -> 1)
    W1 = jax.random.normal(ks[4], (96, 64), dtype=jnp.float32) * (1.0 / np.sqrt(96.0))
    b1 = jnp.zeros((64,), dtype=jnp.float32)
    W2 = jax.random.normal(ks[5], (64, 1), dtype=jnp.float32) * (1.0 / np.sqrt(64.0))
    b2 = jnp.zeros((1,), dtype=jnp.float32)
    return {"user_ids": user_ids, "item_ids": item_ids, "U": U, "I": I,
            "A": A, "B": B, "W1": W1, "b1": b1, "W2": W2, "b2": b2}


def reference(user_ids, item_ids, U, I, A, B, W1, b1, W2, b2):
    users_embed = jnp.take(U, user_ids, axis=0)          # [B, D]
    items_embed = jnp.take(I, item_ids, axis=0)          # [B, D]
    users_bias = jnp.take(A, user_ids, axis=0)           # [B, 1]
    items_bias = jnp.take(B, item_ids, axis=0)           # [B, 1]
    o = jnp.sum(users_embed * items_embed, axis=-1)      # [B]
    predictions = (o[:, None] + users_bias + items_bias).squeeze(-1)  # [B]
    elem_wise_mult = users_embed * items_embed
    out = jnp.concatenate([users_embed, items_embed, elem_wise_mult], axis=-1)  # [B, 96]
    h = jax.nn.relu(out @ W1 + b1)
    score = (h @ W2 + b2).squeeze(-1)                    # [B]
    return (predictions, score)

if __name__ == "__main__":
    import jax
    _d = setup_inputs()
    print(jax.jit(kernel)(*tuple(_d.values())))

</pallas_src>

<mosaic_0001>
#map = affine_map<(d0, d1) -> (0, 0)>
module attributes {stable_mosaic.version = 14 : i64} {
  func.func @k(%arg0: i32, %arg1: i32, %arg2: memref<1000000x32xf32, #tpu.memory_space<hbm>>, %arg3: memref<128x128xi32, #tpu.memory_space<hbm>>, %arg4: memref<16384x32xf32, #tpu.memory_space<hbm>>, %arg5: memref<4x128xi32, #tpu.memory_space<vmem>>, %arg6: memref<512x32xf32, #tpu.memory_space<vmem>>, %arg7: memref<!tpu.dma_semaphore, #tpu.memory_space<semaphore_mem>>) attributes {dimension_semantics = [#tpu.dimension_semantics<core_parallel>, #tpu.dimension_semantics<subcore_parallel>], iteration_bounds = array<i64: 2, 16>, scalar_prefetch = 0 : i64, scratch_operands = 3 : i64, tpu.core_type = #tpu.core_type<sc_vector_subcore>, window_params = [{transform_indices = #map}, {transform_indices = #map}, {transform_indices = #map}]} {
    %mul3A = arith.constant 2 : i32
    %mul3A_0 = arith.muli %arg1, %mul3A : i32
    %add3A = arith.addi %mul3A_0, %arg0 : i32
    %mul3A_1 = arith.constant 512 : i32
    %mul3A_2 = arith.muli %add3A, %mul3A_1 : i32
    %mul3A_3 = arith.constant 4 : i32
    %mul3A_4 = arith.muli %add3A, %mul3A_3 : i32
    "tpu.region"() ({
      %run_scoped3A = tpu.sem_alloc : memref<!tpu.dma_semaphore, #tpu.memory_space<semaphore_mem>>
      %dma_start3A_83 = arith.constant 0 : i32
      %dma_start3A_84 = tpu.memref_slice %arg3[%mul3A_4, %dma_start3A_83] : memref<128x128xi32, #tpu.memory_space<hbm>> -> memref<4x128xi32, #tpu.memory_space<hbm>>
      %dma_start3A_85 = arith.constant 0 : i32
      %dma_start3A_86 = tpu.memref_slice %arg3[%mul3A_4, %dma_start3A_85] : memref<128x128xi32, #tpu.memory_space<hbm>> -> memref<4x128xi32, #tpu.memory_space<hbm>>
      tpu.enqueue_dma source(%dma_start3A_86 : memref<4x128xi32, #tpu.memory_space<hbm>>) target(%arg5 : memref<4x128xi32, #tpu.memory_space<vmem>>) target_semaphore(%run_scoped3A : memref<!tpu.dma_semaphore, #tpu.memory_space<semaphore_mem>>)
      %dma_wait3A_87 = arith.constant 0 : i32
      %dma_wait3A_88 = tpu.memref_slice %arg3[%mul3A_4, %dma_wait3A_87] : memref<128x128xi32, #tpu.memory_space<hbm>> -> memref<4x128xi32, #tpu.memory_space<hbm>>
      %dma_wait3A_89 = arith.constant 0 : i32
      %dma_wait3A_90 = tpu.memref_slice %arg3[%mul3A_4, %dma_wait3A_89] : memref<128x128xi32, #tpu.memory_space<hbm>> -> memref<4x128xi32, #tpu.memory_space<hbm>>
      tpu.wait_dma2 semaphore(%run_scoped3A : memref<!tpu.dma_semaphore, #tpu.memory_space<semaphore_mem>>) src(%dma_wait3A_90 : memref<4x128xi32, #tpu.memory_space<hbm>>) dst(%arg5 : memref<4x128xi32, #tpu.memory_space<vmem>>)
      tpu.yield
    }) : () -> ()
    %dma_start3A = arith.constant 0 : i32
    %dma_start3A_5 = arith.constant 0 : i32
    %dma_start3A_6 = arith.constant 0 : i32
    %dma_start3A_7 = tpu.memref_slice %arg6[%dma_start3A_5, %dma_start3A_6] : memref<512x32xf32, #tpu.memory_space<vmem>> -> memref<128x32xf32, #tpu.memory_space<vmem>>
    %dma_start3A_8 = arith.constant 0 : i32
    %dma_start3A_9 = tpu.memref_slice %arg5[%dma_start3A, %dma_start3A_8] : memref<4x128xi32, #tpu.memory_space<vmem>> -> memref<1x128xi32, #tpu.memory_space<vmem>>
    %dma_start3A_10 = tpu.memref_squeeze %dma_start3A_9 : memref<1x128xi32, #tpu.memory_space<vmem>> -> memref<128xi32, #tpu.memory_space<vmem>>
    %dma_start3A_11 = arith.constant 0 : i32
    %dma_start3A_12 = arith.constant 0 : i32
    %dma_start3A_13 = tpu.memref_slice %arg2[%dma_start3A_11, %dma_start3A_12] : memref<1000000x32xf32, #tpu.memory_space<hbm>> -> memref<1000000x32xf32, #tpu.memory_space<hbm>>
    tpu.enqueue_indirect_dma source(%dma_start3A_13 : memref<1000000x32xf32, #tpu.memory_space<hbm>>) target(%dma_start3A_7 : memref<128x32xf32, #tpu.memory_space<vmem>>) offsets(%dma_start3A_10 : memref<128xi32, #tpu.memory_space<vmem>>) semaphore(%arg7 : memref<!tpu.dma_semaphore, #tpu.memory_space<semaphore_mem>>)
    %dma_start3A_14 = arith.constant 1 : i32
    %dma_start3A_15 = arith.constant 128 : i32
    %dma_start3A_16 = arith.constant 0 : i32
    %dma_start3A_17 = tpu.memref_slice %arg6[%dma_start3A_15, %dma_start3A_16] : memref<512x32xf32, #tpu.memory_space<vmem>> -> memref<128x32xf32, #tpu.memory_space<vmem>>
    %dma_start3A_18 = arith.constant 0 : i32
    %dma_start3A_19 = tpu.memref_slice %arg5[%dma_start3A_14, %dma_start3A_18] : memref<4x128xi32, #tpu.memory_space<vmem>> -> memref<1x128xi32, #tpu.memory_space<vmem>>
    %dma_start3A_20 = tpu.memref_squeeze %dma_start3A_19 : memref<1x128xi32, #tpu.memory_space<vmem>> -> memref<128xi32, #tpu.memory_space<vmem>>
    %dma_start3A_21 = arith.constant 0 : i32
    %dma_start3A_22 = arith.constant 0 : i32
    %dma_start3A_23 = tpu.memref_slice %arg2[%dma_start3A_21, %dma_start3A_22] : memref<1000000x32xf32, #tpu.memory_space<hbm>> -> memref<1000000x32xf32, #tpu.memory_space<hbm>>
    tpu.enqueue_indirect_dma source(%dma_start3A_23 : memref<1000000x32xf32, #tpu.memory_space<hbm>>) target(%dma_start3A_17 : memref<128x32xf32, #tpu.memory_space<vmem>>) offsets(%dma_start3A_20 : memref<128xi32, #tpu.memory_space<vmem>>) semaphore(%arg7 : memref<!tpu.dma_semaphore, #tpu.memory_space<semaphore_mem>>)
    %dma_start3A_24 = arith.constant 2 : i32
    %dma_start3A_25 = arith.constant 256 : i32
    %dma_start3A_26 = arith.constant 0 : i32
    %dma_start3A_27 = tpu.memref_slice %arg6[%dma_start3A_25, %dma_start3A_26] : memref<512x32xf32, #tpu.memory_space<vmem>> -> memref<128x32xf32, #tpu.memory_space<vmem>>
    %dma_start3A_28 = arith.constant 0 : i32
    %dma_start3A_29 = tpu.memref_slice %arg5[%dma_start3A_24, %dma_start3A_28] : memref<4x128xi32, #tpu.memory_space<vmem>> -> memref<1x128xi32, #tpu.memory_space<vmem>>
    %dma_start3A_30 = tpu.memref_squeeze %dma_start3A_29 : memref<1x128xi32, #tpu.memory_space<vmem>> -> memref<128xi32, #tpu.memory_space<vmem>>
    %dma_start3A_31 = arith.constant 0 : i32
    %dma_start3A_32 = arith.constant 0 : i32
    %dma_start3A_33 = tpu.memref_slice %arg2[%dma_start3A_31, %dma_start3A_32] : memref<1000000x32xf32, #tpu.memory_space<hbm>> -> memref<1000000x32xf32, #tpu.memory_space<hbm>>
    tpu.enqueue_indirect_dma source(%dma_start3A_33 : memref<1000000x32xf32, #tpu.memory_space<hbm>>) target(%dma_start3A_27 : memref<128x32xf32, #tpu.memory_space<vmem>>) offsets(%dma_start3A_30 : memref<128xi32, #tpu.memory_space<vmem>>) semaphore(%arg7 : memref<!tpu.dma_semaphore, #tpu.memory_space<semaphore_mem>>)
    %dma_start3A_34 = arith.constant 3 : i32
    %dma_start3A_35 = arith.constant 384 : i32
    %dma_start3A_36 = arith.constant 0 : i32
    %dma_start3A_37 = tpu.memref_slice %arg6[%dma_start3A_35, %dma_start3A_36] : memref<512x32xf32, #tpu.memory_space<vmem>> -> memref<128x32xf32, #tpu.memory_space<vmem>>
    %dma_start3A_38 = arith.constant 0 : i32
    %dma_start3A_39 = tpu.memref_slice %arg5[%dma_start3A_34, %dma_start3A_38] : memref<4x128xi32, #tpu.memory_space<vmem>> -> memref<1x128xi32, #tpu.memory_space<vmem>>
    %dma_start3A_40 = tpu.memref_squeeze %dma_start3A_39 : memref<1x128xi32, #tpu.memory_space<vmem>> -> memref<128xi32, #tpu.memory_space<vmem>>
    %dma_start3A_41 = arith.constant 0 : i32
    %dma_start3A_42 = arith.constant 0 : i32
    %dma_start3A_43 = tpu.memref_slice %arg2[%dma_start3A_41, %dma_start3A_42] : memref<1000000x32xf32, #tpu.memory_space<hbm>> -> memref<1000000x32xf32, #tpu.memory_space<hbm>>
    tpu.enqueue_indirect_dma source(%dma_start3A_43 : memref<1000000x32xf32, #tpu.memory_space<hbm>>) target(%dma_start3A_37 : memref<128x32xf32, #tpu.memory_space<vmem>>) offsets(%dma_start3A_40 : memref<128xi32, #tpu.memory_space<vmem>>) semaphore(%arg7 : memref<!tpu.dma_semaphore, #tpu.memory_space<semaphore_mem>>)
    %dma_wait3A = arith.constant 0 : i32
    %dma_wait3A_44 = arith.constant 0 : i32
    %dma_wait3A_45 = arith.constant 0 : i32
    %dma_wait3A_46 = tpu.memref_slice %arg6[%dma_wait3A_44, %dma_wait3A_45] : memref<512x32xf32, #tpu.memory_space<vmem>> -> memref<128x32xf32, #tpu.memory_space<vmem>>
    %dma_wait3A_47 = arith.constant 0 : i32
    %dma_wait3A_48 = tpu.memref_slice %arg5[%dma_wait3A, %dma_wait3A_47] : memref<4x128xi32, #tpu.memory_space<vmem>> -> memref<1x128xi32, #tpu.memory_space<vmem>>
    %dma_wait3A_49 = tpu.memref_squeeze %dma_wait3A_48 : memref<1x128xi32, #tpu.memory_space<vmem>> -> memref<128xi32, #tpu.memory_space<vmem>>
    %dma_wait3A_50 = arith.constant 0 : i32
    %dma_wait3A_51 = arith.constant 0 : i32
    %dma_wait3A_52 = tpu.memref_slice %arg2[%dma_wait3A_50, %dma_wait3A_51] : memref<1000000x32xf32, #tpu.memory_space<hbm>> -> memref<1000000x32xf32, #tpu.memory_space<hbm>>
    tpu.wait_indirect_dma semaphore(%arg7 : memref<!tpu.dma_semaphore, #tpu.memory_space<semaphore_mem>>) src(%dma_wait3A_52 : memref<1000000x32xf32, #tpu.memory_space<hbm>>) dst(%dma_wait3A_46 : memref<128x32xf32, #tpu.memory_space<vmem>>)
    %dma_wait3A_53 = arith.constant 1 : i32
    %dma_wait3A_54 = arith.constant 128 : i32
    %dma_wait3A_55 = arith.constant 0 : i32
    %dma_wait3A_56 = tpu.memref_slice %arg6[%dma_wait3A_54, %dma_wait3A_55] : memref<512x32xf32, #tpu.memory_space<vmem>> -> memref<128x32xf32, #tpu.memory_space<vmem>>
    %dma_wait3A_57 = arith.constant 0 : i32
    %dma_wait3A_58 = tpu.memref_slice %arg5[%dma_wait3A_53, %dma_wait3A_57] : memref<4x128xi32, #tpu.memory_space<vmem>> -> memref<1x128xi32, #tpu.memory_space<vmem>>
    %dma_wait3A_59 = tpu.memref_squeeze %dma_wait3A_58 : memref<1x128xi32, #tpu.memory_space<vmem>> -> memref<128xi32, #tpu.memory_space<vmem>>
    %dma_wait3A_60 = arith.constant 0 : i32
    %dma_wait3A_61 = arith.constant 0 : i32
    %dma_wait3A_62 = tpu.memref_slice %arg2[%dma_wait3A_60, %dma_wait3A_61] : memref<1000000x32xf32, #tpu.memory_space<hbm>> -> memref<1000000x32xf32, #tpu.memory_space<hbm>>
    tpu.wait_indirect_dma semaphore(%arg7 : memref<!tpu.dma_semaphore, #tpu.memory_space<semaphore_mem>>) src(%dma_wait3A_62 : memref<1000000x32xf32, #tpu.memory_space<hbm>>) dst(%dma_wait3A_56 : memref<128x32xf32, #tpu.memory_space<vmem>>)
    %dma_wait3A_63 = arith.constant 2 : i32
    %dma_wait3A_64 = arith.constant 256 : i32
    %dma_wait3A_65 = arith.constant 0 : i32
    %dma_wait3A_66 = tpu.memref_slice %arg6[%dma_wait3A_64, %dma_wait3A_65] : memref<512x32xf32, #tpu.memory_space<vmem>> -> memref<128x32xf32, #tpu.memory_space<vmem>>
    %dma_wait3A_67 = arith.constant 0 : i32
    %dma_wait3A_68 = tpu.memref_slice %arg5[%dma_wait3A_63, %dma_wait3A_67] : memref<4x128xi32, #tpu.memory_space<vmem>> -> memref<1x128xi32, #tpu.memory_space<vmem>>
    %dma_wait3A_69 = tpu.memref_squeeze %dma_wait3A_68 : memref<1x128xi32, #tpu.memory_space<vmem>> -> memref<128xi32, #tpu.memory_space<vmem>>
    %dma_wait3A_70 = arith.constant 0 : i32
    %dma_wait3A_71 = arith.constant 0 : i32
    %dma_wait3A_72 = tpu.memref_slice %arg2[%dma_wait3A_70, %dma_wait3A_71] : memref<1000000x32xf32, #tpu.memory_space<hbm>> -> memref<1000000x32xf32, #tpu.memory_space<hbm>>
    tpu.wait_indirect_dma semaphore(%arg7 : memref<!tpu.dma_semaphore, #tpu.memory_space<semaphore_mem>>) src(%dma_wait3A_72 : memref<1000000x32xf32, #tpu.memory_space<hbm>>) dst(%dma_wait3A_66 : memref<128x32xf32, #tpu.memory_space<vmem>>)
    %dma_wait3A_73 = arith.constant 3 : i32
    %dma_wait3A_74 = arith.constant 384 : i32
    %dma_wait3A_75 = arith.constant 0 : i32
    %dma_wait3A_76 = tpu.memref_slice %arg6[%dma_wait3A_74, %dma_wait3A_75] : memref<512x32xf32, #tpu.memory_space<vmem>> -> memref<128x32xf32, #tpu.memory_space<vmem>>
    %dma_wait3A_77 = arith.constant 0 : i32
    %dma_wait3A_78 = tpu.memref_slice %arg5[%dma_wait3A_73, %dma_wait3A_77] : memref<4x128xi32, #tpu.memory_space<vmem>> -> memref<1x128xi32, #tpu.memory_space<vmem>>
    %dma_wait3A_79 = tpu.memref_squeeze %dma_wait3A_78 : memref<1x128xi32, #tpu.memory_space<vmem>> -> memref<128xi32, #tpu.memory_space<vmem>>
    %dma_wait3A_80 = arith.constant 0 : i32
    %dma_wait3A_81 = arith.constant 0 : i32
    %dma_wait3A_82 = tpu.memref_slice %arg2[%dma_wait3A_80, %dma_wait3A_81] : memref<1000000x32xf32, #tpu.memory_space<hbm>> -> memref<1000000x32xf32, #tpu.memory_space<hbm>>
    tpu.wait_indirect_dma semaphore(%arg7 : memref<!tpu.dma_semaphore, #tpu.memory_space<semaphore_mem>>) src(%dma_wait3A_82 : memref<1000000x32xf32, #tpu.memory_space<hbm>>) dst(%dma_wait3A_76 : memref<128x32xf32, #tpu.memory_space<vmem>>)
    "tpu.region"() ({
      %run_scoped3A = tpu.sem_alloc : memref<!tpu.dma_semaphore, #tpu.memory_space<semaphore_mem>>
      %dma_start3A_83 = arith.constant 0 : i32
      %dma_start3A_84 = tpu.memref_slice %arg4[%mul3A_2, %dma_start3A_83] : memref<16384x32xf32, #tpu.memory_space<hbm>> -> memref<512x32xf32, #tpu.memory_space<hbm>>
      %dma_start3A_85 = arith.constant 0 : i32
      %dma_start3A_86 = tpu.memref_slice %arg4[%mul3A_2, %dma_start3A_85] : memref<16384x32xf32, #tpu.memory_space<hbm>> -> memref<512x32xf32, #tpu.memory_space<hbm>>
      tpu.enqueue_dma source(%arg6 : memref<512x32xf32, #tpu.memory_space<vmem>>) target(%dma_start3A_86 : memref<512x32xf32, #tpu.memory_space<hbm>>) target_semaphore(%run_scoped3A : memref<!tpu.dma_semaphore, #tpu.memory_space<semaphore_mem>>)
      %dma_wait3A_87 = arith.constant 0 : i32
      %dma_wait3A_88 = tpu.memref_slice %arg4[%mul3A_2, %dma_wait3A_87] : memref<16384x32xf32, #tpu.memory_space<hbm>> -> memref<512x32xf32, #tpu.memory_space<hbm>>
      %dma_wait3A_89 = arith.constant 0 : i32
      %dma_wait3A_90 = tpu.memref_slice %arg4[%mul3A_2, %dma_wait3A_89] : memref<16384x32xf32, #tpu.memory_space<hbm>> -> memref<512x32xf32, #tpu.memory_space<hbm>>
      tpu.wait_dma2 semaphore(%run_scoped3A : memref<!tpu.dma_semaphore, #tpu.memory_space<semaphore_mem>>) src(%arg6 : memref<512x32xf32, #tpu.memory_space<vmem>>) dst(%dma_wait3A_90 : memref<512x32xf32, #tpu.memory_space<hbm>>)
      tpu.yield
    }) : () -> ()
    return
  }
}

#map = affine_map<(d0, d1) -> (0, 0)>
module attributes {stable_mosaic.version = 14 : i64} {
  func.func @k(%arg0: i32, %arg1: i32, %arg2: memref<1000000x32xf32, #tpu.memory_space<hbm>>, %arg3: memref<128x128xi32, #tpu.memory_space<hbm>>, %arg4: memref<16384x32xf32, #tpu.memory_space<hbm>>, %arg5: memref<4x128xi32, #tpu.memory_space<vmem>>, %arg6: memref<512x32xf32, #tpu.memory_space<vmem>>, %arg7: memref<!tpu.dma_semaphore, #tpu.memory_space<semaphore_mem>>) attributes {dimension_semantics = [#tpu.dimension_semantics<core_parallel>, #tpu.dimension_semantics<subcore_parallel>], iteration_bounds = array<i64: 2, 16>, scalar_prefetch = 0 : i64, scratch_operands = 3 : i64, tpu.core_type = #tpu.core_type<sc_vector_subcore>, window_params = [{transform_indices = #map}, {transform_indices = #map}, {transform_indices = #map}]} {
    %mul3A = arith.constant 2 : i32
    %mul3A_0 = arith.muli %arg1, %mul3A : i32
    %add3A = arith.addi %mul3A_0, %arg0 : i32
    %mul3A_1 = arith.constant 512 : i32
    %mul3A_2 = arith.muli %add3A, %mul3A_1 : i32
    %mul3A_3 = arith.constant 4 : i32
    %mul3A_4 = arith.muli %add3A, %mul3A_3 : i32
    "tpu.region"() ({
      %run_scoped3A = tpu.sem_alloc : memref<!tpu.dma_semaphore, #tpu.memory_space<semaphore_mem>>
      %dma_start3A_83 = arith.constant 0 : i32
      %dma_start3A_84 = tpu.memref_slice %arg3[%mul3A_4, %dma_start3A_83] : memref<128x128xi32, #tpu.memory_space<hbm>> -> memref<4x128xi32, #tpu.memory_space<hbm>>
      %dma_start3A_85 = arith.constant 0 : i32
      %dma_start3A_86 = tpu.memref_slice %arg3[%mul3A_4, %dma_start3A_85] : memref<128x128xi32, #tpu.memory_space<hbm>> -> memref<4x128xi32, #tpu.memory_space<hbm>>
      tpu.enqueue_dma source(%dma_start3A_86 : memref<4x128xi32, #tpu.memory_space<hbm>>) target(%arg5 : memref<4x128xi32, #tpu.memory_space<vmem>>) target_semaphore(%run_scoped3A : memref<!tpu.dma_semaphore, #tpu.memory_space<semaphore_mem>>)
      %dma_wait3A_87 = arith.constant 0 : i32
      %dma_wait3A_88 = tpu.memref_slice %arg3[%mul3A_4, %dma_wait3A_87] : memref<128x128xi32, #tpu.memory_space<hbm>> -> memref<4x128xi32, #tpu.memory_space<hbm>>
      %dma_wait3A_89 = arith.constant 0 : i32
      %dma_wait3A_90 = tpu.memref_slice %arg3[%mul3A_4, %dma_wait3A_89] : memref<128x128xi32, #tpu.memory_space<hbm>> -> memref<4x128xi32, #tpu.memory_space<hbm>>
      tpu.wait_dma2 semaphore(%run_scoped3A : memref<!tpu.dma_semaphore, #tpu.memory_space<semaphore_mem>>) src(%dma_wait3A_90 : memref<4x128xi32, #tpu.memory_space<hbm>>) dst(%arg5 : memref<4x128xi32, #tpu.memory_space<vmem>>)
      tpu.yield
    }) : () -> ()
    %dma_start3A = arith.constant 0 : i32
    %dma_start3A_5 = arith.constant 0 : i32
    %dma_start3A_6 = arith.constant 0 : i32
    %dma_start3A_7 = tpu.memref_slice %arg6[%dma_start3A_5, %dma_start3A_6] : memref<512x32xf32, #tpu.memory_space<vmem>> -> memref<128x32xf32, #tpu.memory_space<vmem>>
    %dma_start3A_8 = arith.constant 0 : i32
    %dma_start3A_9 = tpu.memref_slice %arg5[%dma_start3A, %dma_start3A_8] : memref<4x128xi32, #tpu.memory_space<vmem>> -> memref<1x128xi32, #tpu.memory_space<vmem>>
    %dma_start3A_10 = tpu.memref_squeeze %dma_start3A_9 : memref<1x128xi32, #tpu.memory_space<vmem>> -> memref<128xi32, #tpu.memory_space<vmem>>
    %dma_start3A_11 = arith.constant 0 : i32
    %dma_start3A_12 = arith.constant 0 : i32
    %dma_start3A_13 = tpu.memref_slice %arg2[%dma_start3A_11, %dma_start3A_12] : memref<1000000x32xf32, #tpu.memory_space<hbm>> -> memref<1000000x32xf32, #tpu.memory_space<hbm>>
    tpu.enqueue_indirect_dma source(%dma_start3A_13 : memref<1000000x32xf32, #tpu.memory_space<hbm>>) target(%dma_start3A_7 : memref<128x32xf32, #tpu.memory_space<vmem>>) offsets(%dma_start3A_10 : memref<128xi32, #tpu.memory_space<vmem>>) semaphore(%arg7 : memref<!tpu.dma_semaphore, #tpu.memory_space<semaphore_mem>>)
    %dma_start3A_14 = arith.constant 1 : i32
    %dma_start3A_15 = arith.constant 128 : i32
    %dma_start3A_16 = arith.constant 0 : i32
    %dma_start3A_17 = tpu.memref_slice %arg6[%dma_start3A_15, %dma_start3A_16] : memref<512x32xf32, #tpu.memory_space<vmem>> -> memref<128x32xf32, #tpu.memory_space<vmem>>
    %dma_start3A_18 = arith.constant 0 : i32
    %dma_start3A_19 = tpu.memref_slice %arg5[%dma_start3A_14, %dma_start3A_18] : memref<4x128xi32, #tpu.memory_space<vmem>> -> memref<1x128xi32, #tpu.memory_space<vmem>>
    %dma_start3A_20 = tpu.memref_squeeze %dma_start3A_19 : memref<1x128xi32, #tpu.memory_space<vmem>> -> memref<128xi32, #tpu.memory_space<vmem>>
    %dma_start3A_21 = arith.constant 0 : i32
    %dma_start3A_22 = arith.constant 0 : i32
    %dma_start3A_23 = tpu.memref_slice %arg2[%dma_start3A_21, %dma_start3A_22] : memref<1000000x32xf32, #tpu.memory_space<hbm>> -> memref<1000000x32xf32, #tpu.memory_space<hbm>>
    tpu.enqueue_indirect_dma source(%dma_start3A_23 : memref<1000000x32xf32, #tpu.memory_space<hbm>>) target(%dma_start3A_17 : memref<128x32xf32, #tpu.memory_space<vmem>>) offsets(%dma_start3A_20 : memref<128xi32, #tpu.memory_space<vmem>>) semaphore(%arg7 : memref<!tpu.dma_semaphore, #tpu.memory_space<semaphore_mem>>)
    %dma_start3A_24 = arith.constant 2 : i32
    %dma_start3A_25 = arith.constant 256 : i32
    %dma_start3A_26 = arith.constant 0 : i32
    %dma_start3A_27 = tpu.memref_slice %arg6[%dma_start3A_25, %dma_start3A_26] : memref<512x32xf32, #tpu.memory_space<vmem>> -> memref<128x32xf32, #tpu.memory_space<vmem>>
    %dma_start3A_28 = arith.constant 0 : i32
    %dma_start3A_29 = tpu.memref_slice %arg5[%dma_start3A_24, %dma_start3A_28] : memref<4x128xi32, #tpu.memory_space<vmem>> -> memref<1x128xi32, #tpu.memory_space<vmem>>
    %dma_start3A_30 = tpu.memref_squeeze %dma_start3A_29 : memref<1x128xi32, #tpu.memory_space<vmem>> -> memref<128xi32, #tpu.memory_space<vmem>>
    %dma_start3A_31 = arith.constant 0 : i32
    %dma_start3A_32 = arith.constant 0 : i32
    %dma_start3A_33 = tpu.memref_slice %arg2[%dma_start3A_31, %dma_start3A_32] : memref<1000000x32xf32, #tpu.memory_space<hbm>> -> memref<1000000x32xf32, #tpu.memory_space<hbm>>
    tpu.enqueue_indirect_dma source(%dma_start3A_33 : memref<1000000x32xf32, #tpu.memory_space<hbm>>) target(%dma_start3A_27 : memref<128x32xf32, #tpu.memory_space<vmem>>) offsets(%dma_start3A_30 : memref<128xi32, #tpu.memory_space<vmem>>) semaphore(%arg7 : memref<!tpu.dma_semaphore, #tpu.memory_space<semaphore_mem>>)
    %dma_start3A_34 = arith.constant 3 : i32
    %dma_start3A_35 = arith.constant 384 : i32
    %dma_start3A_36 = arith.constant 0 : i32
    %dma_start3A_37 = tpu.memref_slice %arg6[%dma_start3A_35, %dma_start3A_36] : memref<512x32xf32, #tpu.memory_space<vmem>> -> memref<128x32xf32, #tpu.memory_space<vmem>>
    %dma_start3A_38 = arith.constant 0 : i32
    %dma_start3A_39 = tpu.memref_slice %arg5[%dma_start3A_34, %dma_start3A_38] : memref<4x128xi32, #tpu.memory_space<vmem>> -> memref<1x128xi32, #tpu.memory_space<vmem>>
    %dma_start3A_40 = tpu.memref_squeeze %dma_start3A_39 : memref<1x128xi32, #tpu.memory_space<vmem>> -> memref<128xi32, #tpu.memory_space<vmem>>
    %dma_start3A_41 = arith.constant 0 : i32
    %dma_start3A_42 = arith.constant 0 : i32
    %dma_start3A_43 = tpu.memref_slice %arg2[%dma_start3A_41, %dma_start3A_42] : memref<1000000x32xf32, #tpu.memory_space<hbm>> -> memref<1000000x32xf32, #tpu.memory_space<hbm>>
    tpu.enqueue_indirect_dma source(%dma_start3A_43 : memref<1000000x32xf32, #tpu.memory_space<hbm>>) target(%dma_start3A_37 : memref<128x32xf32, #tpu.memory_space<vmem>>) offsets(%dma_start3A_40 : memref<128xi32, #tpu.memory_space<vmem>>) semaphore(%arg7 : memref<!tpu.dma_semaphore, #tpu.memory_space<semaphore_mem>>)
    %dma_wait3A = arith.constant 0 : i32
    %dma_wait3A_44 = arith.constant 0 : i32
    %dma_wait3A_45 = arith.constant 0 : i32
    %dma_wait3A_46 = tpu.memref_slice %arg6[%dma_wait3A_44, %dma_wait3A_45] : memref<512x32xf32, #tpu.memory_space<vmem>> -> memref<128x32xf32, #tpu.memory_space<vmem>>
    %dma_wait3A_47 = arith.constant 0 : i32
    %dma_wait3A_48 = tpu.memref_slice %arg5[%dma_wait3A, %dma_wait3A_47] : memref<4x128xi32, #tpu.memory_space<vmem>> -> memref<1x128xi32, #tpu.memory_space<vmem>>
    %dma_wait3A_49 = tpu.memref_squeeze %dma_wait3A_48 : memref<1x128xi32, #tpu.memory_space<vmem>> -> memref<128xi32, #tpu.memory_space<vmem>>
    %dma_wait3A_50 = arith.constant 0 : i32
    %dma_wait3A_51 = arith.constant 0 : i32
    %dma_wait3A_52 = tpu.memref_slice %arg2[%dma_wait3A_50, %dma_wait3A_51] : memref<1000000x32xf32, #tpu.memory_space<hbm>> -> memref<1000000x32xf32, #tpu.memory_space<hbm>>
    tpu.wait_indirect_dma semaphore(%arg7 : memref<!tpu.dma_semaphore, #tpu.memory_space<semaphore_mem>>) src(%dma_wait3A_52 : memref<1000000x32xf32, #tpu.memory_space<hbm>>) dst(%dma_wait3A_46 : memref<128x32xf32, #tpu.memory_space<vmem>>)
    %dma_wait3A_53 = arith.constant 1 : i32
    %dma_wait3A_54 = arith.constant 128 : i32
    %dma_wait3A_55 = arith.constant 0 : i32
    %dma_wait3A_56 = tpu.memref_slice %arg6[%dma_wait3A_54, %dma_wait3A_55] : memref<512x32xf32, #tpu.memory_space<vmem>> -> memref<128x32xf32, #tpu.memory_space<vmem>>
    %dma_wait3A_57 = arith.constant 0 : i32
    %dma_wait3A_58 = tpu.memref_slice %arg5[%dma_wait3A_53, %dma_wait3A_57] : memref<4x128xi32, #tpu.memory_space<vmem>> -> memref<1x128xi32, #tpu.memory_space<vmem>>
    %dma_wait3A_59 = tpu.memref_squeeze %dma_wait3A_58 : memref<1x128xi32, #tpu.memory_space<vmem>> -> memref<128xi32, #tpu.memory_space<vmem>>
    %dma_wait3A_60 = arith.constant 0 : i32
    %dma_wait3A_61 = arith.constant 0 : i32
    %dma_wait3A_62 = tpu.memref_slice %arg2[%dma_wait3A_60, %dma_wait3A_61] : memref<1000000x32xf32, #tpu.memory_space<hbm>> -> memref<1000000x32xf32, #tpu.memory_space<hbm>>
    tpu.wait_indirect_dma semaphore(%arg7 : memref<!tpu.dma_semaphore, #tpu.memory_space<semaphore_mem>>) src(%dma_wait3A_62 : memref<1000000x32xf32, #tpu.memory_space<hbm>>) dst(%dma_wait3A_56 : memref<128x32xf32, #tpu.memory_space<vmem>>)
    %dma_wait3A_63 = arith.constant 2 : i32
    %dma_wait3A_64 = arith.constant 256 : i32
    %dma_wait3A_65 = arith.constant 0 : i32
    %dma_wait3A_66 = tpu.memref_slice %arg6[%dma_wait3A_64, %dma_wait3A_65] : memref<512x32xf32, #tpu.memory_space<vmem>> -> memref<128x32xf32, #tpu.memory_space<vmem>>
    %dma_wait3A_67 = arith.constant 0 : i32
    %dma_wait3A_68 = tpu.memref_slice %arg5[%dma_wait3A_63, %dma_wait3A_67] : memref<4x128xi32, #tpu.memory_space<vmem>> -> memref<1x128xi32, #tpu.memory_space<vmem>>
    %dma_wait3A_69 = tpu.memref_squeeze %dma_wait3A_68 : memref<1x128xi32, #tpu.memory_space<vmem>> -> memref<128xi32, #tpu.memory_space<vmem>>
    %dma_wait3A_70 = arith.constant 0 : i32
    %dma_wait3A_71 = arith.constant 0 : i32
    %dma_wait3A_72 = tpu.memref_slice %arg2[%dma_wait3A_70, %dma_wait3A_71] : memref<1000000x32xf32, #tpu.memory_space<hbm>> -> memref<1000000x32xf32, #tpu.memory_space<hbm>>
    tpu.wait_indirect_dma semaphore(%arg7 : memref<!tpu.dma_semaphore, #tpu.memory_space<semaphore_mem>>) src(%dma_wait3A_72 : memref<1000000x32xf32, #tpu.memory_space<hbm>>) dst(%dma_wait3A_66 : memref<128x32xf32, #tpu.memory_space<vmem>>)
    %dma_wait3A_73 = arith.constant 3 : i32
    %dma_wait3A_74 = arith.constant 384 : i32
    %dma_wait3A_75 = arith.constant 0 : i32
    %dma_wait3A_76 = tpu.memref_slice %arg6[%dma_wait3A_74, %dma_wait3A_75] : memref<512x32xf32, #tpu.memory_space<vmem>> -> memref<128x32xf32, #tpu.memory_space<vmem>>
    %dma_wait3A_77 = arith.constant 0 : i32
    %dma_wait3A_78 = tpu.memref_slice %arg5[%dma_wait3A_73, %dma_wait3A_77] : memref<4x128xi32, #tpu.memory_space<vmem>> -> memref<1x128xi32, #tpu.memory_space<vmem>>
    %dma_wait3A_79 = tpu.memref_squeeze %dma_wait3A_78 : memref<1x128xi32, #tpu.memory_space<vmem>> -> memref<128xi32, #tpu.memory_space<vmem>>
    %dma_wait3A_80 = arith.constant 0 : i32
    %dma_wait3A_81 = arith.constant 0 : i32
    %dma_wait3A_82 = tpu.memref_slice %arg2[%dma_wait3A_80, %dma_wait3A_81] : memref<1000000x32xf32, #tpu.memory_space<hbm>> -> memref<1000000x32xf32, #tpu.memory_space<hbm>>
    tpu.wait_indirect_dma semaphore(%arg7 : memref<!tpu.dma_semaphore, #tpu.memory_space<semaphore_mem>>) src(%dma_wait3A_82 : memref<1000000x32xf32, #tpu.memory_space<hbm>>) dst(%dma_wait3A_76 : memref<128x32xf32, #tpu.memory_space<vmem>>)
    "tpu.region"() ({
      %run_scoped3A = tpu.sem_alloc : memref<!tpu.dma_semaphore, #tpu.memory_space<semaphore_mem>>
      %dma_start3A_83 = arith.constant 0 : i32
      %dma_start3A_84 = tpu.memref_slice %arg4[%mul3A_2, %dma_start3A_83] : memref<16384x32xf32, #tpu.memory_space<hbm>> -> memref<512x32xf32, #tpu.memory_space<hbm>>
      %dma_start3A_85 = arith.constant 0 : i32
      %dma_start3A_86 = tpu.memref_slice %arg4[%mul3A_2, %dma_start3A_85] : memref<16384x32xf32, #tpu.memory_space<hbm>> -> memref<512x32xf32, #tpu.memory_space<hbm>>
      tpu.enqueue_dma source(%arg6 : memref<512x32xf32, #tpu.memory_space<vmem>>) target(%dma_start3A_86 : memref<512x32xf32, #tpu.memory_space<hbm>>) target_semaphore(%run_scoped3A : memref<!tpu.dma_semaphore, #tpu.memory_space<semaphore_mem>>)
      %dma_wait3A_87 = arith.constant 0 : i32
      %dma_wait3A_88 = tpu.memref_slice %arg4[%mul3A_2, %dma_wait3A_87] : memref<16384x32xf32, #tpu.memory_space<hbm>> -> memref<512x32xf32, #tpu.memory_space<hbm>>
      %dma_wait3A_89 = arith.constant 0 : i32
      %dma_wait3A_90 = tpu.memref_slice %arg4[%mul3A_2, %dma_wait3A_89] : memref<16384x32xf32, #tpu.memory_space<hbm>> -> memref<512x32xf32, #tpu.memory_space<hbm>>
      tpu.wait_dma2 semaphore(%run_scoped3A : memref<!tpu.dma_semaphore, #tpu.memory_space<semaphore_mem>>) src(%arg6 : memref<512x32xf32, #tpu.memory_space<vmem>>) dst(%dma_wait3A_90 : memref<512x32xf32, #tpu.memory_space<hbm>>)
      tpu.yield
    }) : () -> ()
    return
  }
}

module attributes {stable_mosaic.version = 14 : i64} {
  func.func @_dense_body(%arg0: memref<16384x32xf32, #tpu.memory_space<vmem>>, %arg1: memref<16384x32xf32, #tpu.memory_space<vmem>>, %arg2: memref<96x64xf32, #tpu.memory_space<vmem>>, %arg3: memref<1x64xf32, #tpu.memory_space<vmem>>, %arg4: memref<1x64xf32, #tpu.memory_space<vmem>>, %arg5: memref<1x1xf32, #tpu.memory_space<vmem>>, %arg6: memref<16384xf32, #tpu.memory_space<vmem>>, %arg7: memref<16384xf32, #tpu.memory_space<vmem>>) attributes {dimension_semantics = [], scalar_prefetch = 0 : i64, scratch_operands = 0 : i64, tpu.core_type = #tpu.core_type<tc>} {
    %get3A = arith.constant 0 : index
    %get3A_0 = arith.constant 0 : index
    %get3A_1 = vector.load %arg0[%get3A, %get3A_0] : memref<16384x32xf32, #tpu.memory_space<vmem>>, vector<16384x32xf32>
    %get3A_2 = arith.constant 0 : index
    %get3A_3 = arith.constant 0 : index
    %get3A_4 = vector.load %arg1[%get3A_2, %get3A_3] : memref<16384x32xf32, #tpu.memory_space<vmem>>, vector<16384x32xf32>
    %mul3A = arith.mulf %get3A_1, %get3A_4 : vector<16384x32xf32>
    %reduce_sum3A = arith.constant dense<0.000000e+00> : vector<16384xf32>
    %reduce_sum3A_5 = vector.multi_reduction <add>, %mul3A, %reduce_sum3A [1] : vector<16384x32xf32> to vector<16384xf32>
    %swap3A = arith.constant 0 : index
    %swap3A_6 = vector.load %arg6[%swap3A] : memref<16384xf32, #tpu.memory_space<vmem>>, vector<16384xf32>
    tpu.vector_store %arg6[%swap3A], %reduce_sum3A_5 {strides = array<i32>} : memref<16384xf32, #tpu.memory_space<vmem>>, vector<16384xf32>,
    %get3A_7 = arith.constant 0 : index
    %get3A_8 = arith.constant 0 : index
    %get3A_9 = vector.load %arg2[%get3A_7, %get3A_8] : memref<96x64xf32, #tpu.memory_space<vmem>>, vector<96x64xf32>
    %slice3A = vector.extract_strided_slice %get3A_9 {offsets = [0, 0], sizes = [32, 64], strides = [1, 1]} : vector<96x64xf32> to vector<32x64xf32>
    %dot_general3A = arith.constant dense<0.000000e+00> : vector<16384x64xf32>
    %dot_general3A_10 = tpu.matmul %get3A_1, %slice3A, %dot_general3A {dimension_numbers = #tpu.dot_dimension_numbers<[1], [0], [0], [1], [0, 0, 1, 1], [], []>, transpose_lhs_hint = false} : vector<16384x32xf32>, vector<32x64xf32>, vector<16384x64xf32> -> vector<16384x64xf32>
    %slice3A_11 = vector.extract_strided_slice %get3A_9 {offsets = [32, 0], sizes = [32, 64], strides = [1, 1]} : vector<96x64xf32> to vector<32x64xf32>
    %dot_general3A_12 = arith.constant dense<0.000000e+00> : vector<16384x64xf32>
    %dot_general3A_13 = tpu.matmul %get3A_4, %slice3A_11, %dot_general3A_12 {dimension_numbers = #tpu.dot_dimension_numbers<[1], [0], [0], [1], [0, 0, 1, 1], [], []>, transpose_lhs_hint = false} : vector<16384x32xf32>, vector<32x64xf32>, vector<16384x64xf32> -> vector<16384x64xf32>
    %add3A = arith.addf %dot_general3A_10, %dot_general3A_13 : vector<16384x64xf32>
    %slice3A_14 = vector.extract_strided_slice %get3A_9 {offsets = [64, 0], sizes = [32, 64], strides = [1, 1]} : vector<96x64xf32> to vector<32x64xf32>
    %dot_general3A_15 = arith.constant dense<0.000000e+00> : vector<16384x64xf32>
    %dot_general3A_16 = tpu.matmul %mul3A, %slice3A_14, %dot_general3A_15 {dimension_numbers = #tpu.dot_dimension_numbers<[1], [0], [0], [1], [0, 0, 1, 1], [], []>, transpose_lhs_hint = false} : vector<16384x32xf32>, vector<32x64xf32>, vector<16384x64xf32> -> vector<16384x64xf32>
    %add3A_17 = arith.addf %add3A, %dot_general3A_16 : vector<16384x64xf32>
    %get3A_18 = arith.constant 0 : index
    %get3A_19 = arith.constant 0 : index
    %get3A_20 = vector.load %arg3[%get3A_18, %get3A_19] : memref<1x64xf32, #tpu.memory_space<vmem>>, vector<1x64xf32>
    %add3A_21 = vector.broadcast %get3A_20 : vector<1x64xf32> to vector<16384x64xf32>
    %add3A_22 = arith.addf %add3A_17, %add3A_21 : vector<16384x64xf32>
    %max3A = arith.constant 0.000000e+00 : f32
    %max3A_23 = vector.broadcast %max3A : f32 to vector<16384x64xf32>
    %max3A_24 = arith.maximumf %add3A_22, %max3A_23 : vector<16384x64xf32>
    %get3A_25 = arith.constant 0 : index
    %get3A_26 = arith.constant 0 : index
    %get3A_27 = vector.load %arg4[%get3A_25, %get3A_26] : memref<1x64xf32, #tpu.memory_space<vmem>>, vector<1x64xf32>
    %mul3A_28 = vector.broadcast %get3A_27 : vector<1x64xf32> to vector<16384x64xf32>
    %mul3A_29 = arith.mulf %max3A_24, %mul3A_28 : vector<16384x64xf32>
    %reduce_sum3A_30 = arith.constant dense<0.000000e+00> : vector<16384xf32>
    %reduce_sum3A_31 = vector.multi_reduction <add>, %mul3A_29, %reduce_sum3A_30 [1] : vector<16384x64xf32> to vector<16384xf32>
    %get3A_32 = arith.constant 0 : index
    %get3A_33 = arith.constant 0 : index
    %get3A_34 = vector.load %arg5[%get3A_32, %get3A_33] : memref<1x1xf32, #tpu.memory_space<vmem>>, vector<1x1xf32>
    %get3A_35 = vector.extract %get3A_34[0, 0] : f32 from vector<1x1xf32>
    %add3A_36 = vector.broadcast %get3A_35 : f32 to vector<16384xf32>
    %add3A_37 = arith.addf %reduce_sum3A_31, %add3A_36 : vector<16384xf32>
    %swap3A_38 = arith.constant 0 : index
    %swap3A_39 = vector.load %arg7[%swap3A_38] : memref<16384xf32, #tpu.memory_space<vmem>>, vector<16384xf32>
    tpu.vector_store %arg7[%swap3A_38], %add3A_37 {strides = array<i32>} : memref<16384xf32, #tpu.memory_space<vmem>>, vector<16384xf32>,
    return
  }
}

</mosaic_0001>

<sc_bundles>
// kernel: kernel.5.cloned.1.call-start
scs
__scs_entry_jumppad:
0x0: {  	(pc) =	sbr.rel $0x88, $3  }
0x1: {  	(tag) =	ssettag $0x0;
	lr =	simm.s32 $0x1  }
0x2: {  	[smem:$0x3F99] =	sst lr;
	_ =	strace $0xD0000000  }
0x3: {  	_ = 	snop  }
0x4: {  	_ = 	snop  }
0x5: {  	_ = 	snop  }
0x6: {  	_ = 	snop  }
0x7: {  	_ = 	snop  }
__scs_overlays_trampoline_lowered:
0x8: {  	[smem:$0x3FA8] =	sst s0  }
0x9: {  	[smem:$0x3FA9] =	sst s1  }
0xa: {  	[smem:$0x3FAA] =	sst s2  }
0xb: {  	[smem:$0x3FAB] =	sst s3  }
0xc: {  	[smem:$0x3FAC] =	sst s4  }
0xd: {  	[smem:$0x3FAD] =	sst s5  }
0xe: {  	[smem:$0x3FAE] =	sst s6  }
0xf: {  	[smem:$0x3FAF] =	sst s7  }
0x10: {  	[smem:$0x3FB0] =	sst s8  }
0x11: {  	[smem:$0x3FB1] =	sst s9;
	s0 =	simm.s32 @!p0 $0x0  }
0x12: {  	s1 =	sld [smem:$0x3F97];
	s0 =	simm.s32 @p0 $0x1  }
0x13: {  	[smem:$0x3FB2] =	sst s0;
	s0 =	simm.s32 @!p1 $0x0  }
0x14: {  	s2 =	sld [smem:$0x3F96];
	s0 =	simm.s32 @p1 $0x1  }
0x15: {  	[smem:$0x3FB3] =	sst s0;
	s0 =	simm.s32 @!p2 $0x0  }
0x16: {  	s3 =	sld [smem:$0x3FDB];
	s0 =	simm.s32 @p2 $0x1  }
0x17: {  	s4 =	simm.s32 $0x1BF5;
	[smem:$0x3FB5] =	sst s0  }
0x18: {  	s0 =	sld [smem:$0x3F98];
	_ =	swait.ge [sflag:s4], $0x0  }
0x19: {  	s7 =	sld [smem:$0x3F99]  }
0x1a: {  	s8 =	sadd.s32 $0xFFFFE003, lr  }
0x1b: {  	s9 =	sadd.s32 $0xFFFFFEF7, lr;
	s5 =	simm.s32 $0xFFFFFFFF;
	p2 =	slt.u32 s8, $0xFFFFF086  }
0x1c: {  	p1 =	slt.u32 s9, $0xF7A;
	s5 =	simm.s32 @!p2 $0x0  }
0x1d: {  	s5 =	simm.s32 @p1 $0x1;
	p0 =	seq.s32 s7, s2  }
0x1e: {  	s7 =	smul.u32 @!p0 $0xF7A, s2;
	p2 =	seq.s32 @!p0 s5, $0x0  }
0x1f: {  	s9 =	smul.u32 $0xF7A, s1;
	s8 =	simm.s32 @!p0 $0x1BF5;
	p2 =	por !p2, p0  }
0x20: {  	[sflag:s8] =	ssyncset.s32 @!p0 $0xFFFFF086;
	s6 =	sadd.s32 @!p0 s3, s7;
	s7 =	simm.s32 @!p0 $0x108  }
0x21: {  	s3 =	sadd.s32 s3, s9;
	s6 =	sadd.s32 @!p0 $0x88, s6;
	s7 =	simm.s32 @p2 $0x1082  }
0x22: {  	[simem:s7], [sflag:s8] =	dma.local @!p0 [hbm:s6], $0xF7A  }
0x23: {  	s9 =	sor.u32 $0xD0000000, s2;
	s6 =	simm.s32 $0x108;
	_ =	swait.ge @!p0 [sflag:s8], $0x0  }
0x24: {  	s3 =	sadd.s32 $0x88, s3;
	s6 =	simm.s32 @!p1 $0x1082;
	[sflag:s4] =	ssyncset.s32 $0xFFFFF086  }
0x25: {  	[simem:s6], [sflag:s4] =	dma.local [hbm:s3], $0xF7A  }
0x26: {  	[smem:$0x3F99] =	sst s1;
	(tag) =	ssettag s2;
	_ =	strace s9  }
0x27: {  	s1 =	sld [smem:$0x3FA9]  }
0x28: {  	s2 =	sld [smem:$0x3FAA]  }
0x29: {  	s4 =	sld [smem:$0x3FAC]  }
0x2a: {  	p0 =	seq.s32 s5, $0x0;
	s5 =	sld [smem:$0x3FAD]  }
0x2b: {  	s6 =	sld [smem:$0x3FAE]  }
0x2c: {  	s7 =	sld [smem:$0x3FAF]  }
0x2d: {  	s3 =	simm.s32 $0x108;
	s8 =	sld [smem:$0x3FB0]  }
0x2e: {  	s3 =	simm.s32 @!p0 $0x1082;
	s9 =	sld [smem:$0x3FB1]  }
0x2f: {  	lr =	sadd.s32 s0, s3;
	s0 =	sld [smem:$0x3FA8]  }
0x30: {  	s3 =	sld [smem:$0x3FAB]  }
0x31: {  	[smem:$0x3FB4] =	sst s10  }
0x32: {  	s10 =	sld [smem:$0x3FB2];
	_ =	sdelay $0x3  }
0x33: {  	p0 =	seq.s32 s10, $0x1;
	s10 =	sld [smem:$0x3FB4];
	_ =	sdelay $0x3  }
0x34: {  	[smem:$0x3FB4] =	sst s10  }
0x35: {  	s10 =	sld [smem:$0x3FB3];
	_ =	sdelay $0x3  }
0x36: {  	p1 =	seq.s32 s10, $0x1;
	s10 =	sld [smem:$0x3FB4];
	_ =	sdelay $0x3  }
0x37: {  	[smem:$0x3FB4] =	sst s10  }
0x38: {  	s10 =	sld [smem:$0x3FB5]  }
0x39: {  	_ = 	snop;
	(pc) =	sbr.ind lr, $3  }
0x3a: {  	_ = 	snop  }
0x3b: {  	_ = 	snop  }
0x3c: {  	p2 =	seq.s32 s10, $0x1;
	s10 =	sld [smem:$0x3FB4]  }
0x3d: {  	_ =	shalt  }
0x3e: {  	_ =	shalt  }
0x3f: {  	_ =	shalt  }
0x40: {  	_ =	shalt  }
0x41: {  	_ =	shalt  }
0x42: {  	_ =	shalt  }
0x43: {  	_ =	shalt  }
0x44: {  	_ =	shalt  }
0x45: {  	_ =	shalt  }
0x46: {  	_ =	shalt  }
0x47: {  	_ =	shalt  }
0x48: {  	_ =	shalt  }
0x49: {  	_ =	shalt  }
0x4a: {  	_ =	shalt  }
0x4b: {  	_ =	shalt  }
0x4c: {  	_ =	shalt  }
0x4d: {  	_ =	shalt  }
0x4e: {  	_ =	shalt  }
0x4f: {  	_ =	shalt  }
0x50: {  	_ =	shalt  }
0x51: {  	_ =	shalt  }
0x52: {  	_ =	shalt  }
0x53: {  	_ =	shalt  }
0x54: {  	_ =	shalt  }
0x55: {  	_ =	shalt  }
0x56: {  	_ =	shalt  }
0x57: {  	_ =	shalt  }
0x58: {  	_ =	shalt  }
0x59: {  	_ =	shalt  }
0x5a: {  	_ =	shalt  }
0x5b: {  	_ =	shalt  }
0x5c: {  	_ =	shalt  }
0x5d: {  	_ =	shalt  }
0x5e: {  	_ =	shalt  }
0x5f: {  	_ =	shalt  }
0x60: {  	_ =	shalt  }
0x61: {  	_ =	shalt  }
0x62: {  	_ =	shalt  }
0x63: {  	_ =	shalt  }
0x64: {  	_ =	shalt  }
0x65: {  	_ =	shalt  }
0x66: {  	_ =	shalt  }
0x67: {  	_ =	shalt  }
0x68: {  	_ =	shalt  }
0x69: {  	_ =	shalt  }
0x6a: {  	_ =	shalt  }
0x6b: {  	_ =	shalt  }
0x6c: {  	_ =	shalt  }
0x6d: {  	_ =	shalt  }
0x6e: {  	_ =	shalt  }
0x6f: {  	_ =	shalt  }
0x70: {  	_ =	shalt  }
0x71: {  	_ =	shalt  }
0x72: {  	_ =	shalt  }
0x73: {  	_ =	shalt  }
0x74: {  	_ =	shalt  }
0x75: {  	_ =	shalt  }
0x76: {  	_ =	shalt  }
0x77: {  	_ =	shalt  }
0x78: {  	_ =	shalt  }
0x79: {  	_ =	shalt  }
0x7a: {  	_ =	shalt  }
0x7b: {  	_ =	shalt  }
0x7c: {  	_ =	shalt  }
0x7d: {  	_ =	shalt  }
0x7e: {  	_ =	shalt  }
0x7f: {  	_ =	shalt  }
0x80: {  	_ =	shalt  }
0x81: {  	_ =	shalt  }
0x82: {  	_ =	shalt  }
0x83: {  	_ =	shalt  }
0x84: {  	_ =	shalt  }
0x85: {  	_ =	shalt  }
0x86: {  	_ =	shalt  }
0x87: {  	_ =	shalt  }
.Lfunc_end0:
.L_simem_size_0:
called_computation_lowered:
.L_overlay_start_0:
0x88: {  	s2 =	sld [smem:$0x3FD9]  }
0x89: {  	s3 =	sld [smem:$0x3FFE];
	_ =	sdelay $0x1  }
0x8a: {  	s1 =	srdreg.scid  }
0x8b: {  	s0 =	sand.u32 $0x1, s1  }
0x8c: {  	s17 =	sshll.u32 s0, $0xA;
	s2 =	sadd.s32 s3, s2  }
0x8d: {  	s2 =	sadd.s32 s2, s17  }
0x8e: {  	[smem:$0x3FC0] =	sst s2  }
0x8f: {  	_ = 	snop  }
0x90: {  	s18 =	sld [smem:$0x3FC9];
	(tm) =	ssettm $0x1  }
0x91: {  	s19 =	sld [smem:$0x3FFB];
	_ =	sdelay $0x3  }
0x92: {  	_ =	strace s19  }
0x93: {  	s2 =	sld [smem:$0x3FFC];
	_ =	sdelay $0x3  }
0x94: {  	_ =	strace s2  }
0x95: {  	s2 =	sld [smem:$0x3FFD];
	_ =	sdelay $0x3  }
0x96: {  	_ =	strace s2  }
0x97: {  	_ =	strace $0x8FFFFFFF  }
0x98: {  	s20 =	sld [smem:$0x3FDB];
	_ =	sdelay $0x1  }
0x99: {  	s4 =	simm.s32 $_scs_section_size  }
0x9a: {  	s5 =	simm.s32 $_size__tile_overlayer_lowered;
	s6 =	simm.s32 $_tile_overlayer_lowered  }
0x9b: {  	s7 =	simm.s32 $0x1BFF;
	s21 =	sshll.u32 s6, $0x1;
	s4 =	sadd.s32 s4, s20  }
0x9c: {  	s22 =	simm.s32 $0x0;
	s5 =	sshll.u32 s5, $0x1;
	s6 =	sadd.s32 s21, s4  }
0x9d: {  	[timem:s22], [sflag:s7] =	dma.local [hbm:s6], s5  }
0x9e: {  	_ =	swait.ge [sflag:s7], s5  }
0x9f: {  	s5 =	ssub.s32 $0x0, s5;
	[sflag:s7] =	ssyncset.done $0x0  }
0xa0: {  	[sflag:s7] =	ssyncadd.s32 s5;
	_ =	sdelay $0x1  }
0xa1: {  	s23 =	simm.s32 $0x1B8B  }
0xa2: {  	_ =	swait.ge [sflag:s23], $0x1  }
0xa3: {  	[sflag:s23] =	ssyncset.done $0x0  }
0xa4: {  	[sflag:s23] =	ssyncadd.s32 $0xFFFFFFFF  }
0xa5: {  	s5 =	sld [smem:$0x0]  }
0xa6: {  	s6 =	sand.u32 $0xFFFFFFFE, s1  }
0xa7: {  	p0 =	sne.s32 s1, s6  }
0xa8: {  	s6 =	sshll.u32 @p0 s6, $0xE  }
0xa9: {  	s6 =	sadd.s32 @p0 $0x11B8D, s6;
	s7 =	sshll.u32 @p0 s5, $0x11  }
0xaa: {  	s6 =	sor.u32 @p0 s7, s6  }
0xab: {  	[sflag:s6] =	ssyncadd.remote.s32 @p0 $0x1;
	_ =	sdelay $0x1  }
0xac: {  	s6 =	simm.s32 @p0 $0x1B8D  }
0xad: {  	_ =	swait.eq @p0 [sflag:s6], $0x1  }
0xae: {  	[sflag:s6] =	ssyncadd.s32 @p0 $0xFFFFFFFF  }
0xaf: {  	s7 =	sshll.u32 @!p0 s1, $0xE  }
0xb0: {  	s7 =	sor.u32 @!p0 $0x4000, s7;
	s6 =	simm.s32 @!p0 $0x1B8D  }
0xb1: {  	s5 =	sshll.u32 @!p0 s5, $0x11;
	s7 =	sadd.s32 @!p0 $0x11B8D, s7;
	_ =	swait.eq @!p0 [sflag:s6], $0x1  }
0xb2: {  	s5 =	sor.u32 @!p0 s5, s7;
	[sflag:s6] =	ssyncadd.s32 @!p0 $0xFFFFFFFF  }
0xb3: {  	s25 =	simm.s32 $0x1B8E;
	s24 =	sld [smem:$0x3FFE];
	[sflag:s5] =	ssyncadd.remote.s32 @!p0 $0x1  }
0xb4: {  	s26 =	simm.s32 $execute0_lowered;
	[smem:$0x3FD2] =	sst s25  }
0xb5: {  	s6 =	sshll.u32 s26, $0x1;
	_ =	strace $0x80000049;
	[dreg:$0x1] =	wrdreg $0xFFFFFFFF  }
0xb6: {  	s28 =	simm.s32 $_size_execute0_lowered;
	s4 =	sadd.s32 s4, s6;
	[dreg:$0x0] =	wrdreg $0x0  }
0xb7: {  	s6 =	sshll.u32 s28, $0x1;
	[dreg:$0x2] =	wrdreg s4  }
0xb8: {  	[dreg:$0x3] =	wrdreg s6  }
0xb9: {  	[dreg:$0x4] =	wrdreg $0xC0  }
0xba: {  	_ =	task [dreg:s22], $0x5FFFF  }
0xbb: {  	[dreg:$0x1] =	wrdreg $0xFFFFFFFF  }
0xbc: {  	[dreg:$0x0] =	wrdreg $0x60  }
0xbd: {  	[dreg:$0x2] =	wrdreg s24  }
0xbe: {  	[dreg:$0x3] =	wrdreg s18  }
0xbf: {  	[dreg:$0x4] =	wrdreg $0x9  }
0xc0: {  	_ =	task.clear_ibuf [dreg:s22], $0x5FFFF;
	_ =	strace $0x90000049  }
0xc1: {  	s29 =	simm.s32 $0x9;
	_ =	strace $0x8000004B  }
0xc2: {  	_ =	swait.ge [sflag:s29], $0x1  }
0xc3: {  	[sflag:s29] =	ssyncadd.s32 $0xFFFFFFFF  }
0xc4: {  	_ =	strace $0x9000004B  }
0xc5: {  	_ =	sfence  }
0xc6: {  	s30 =	sld [smem:$0x0];
	_ =	sdelay $0x2  }
0xc7: {  	s31 =	sshll.u32 s1, $0xD;
	s1 =	sshrl.u32 s1, $0x2  }
0xc8: {  	s4 =	sand.u32 $0x4000, s31;
	s1 =	sadd.s32 s1, s30  }
0xc9: {  	s0 =	sor.u32 s4, s0;
	s1 =	sshll.u32 s1, $0x11  }
0xca: {  	s0 =	sor.u32 s1, s0  }
0xcb: {  	s0 =	sadd.s32 $0x8F2B, s0  }
0xcc: {  	[sflag:s0] =	ssyncadd.remote.s32 $0x1  }
0xcd: {  	_ =	sfence.sel $0xFFFF  }
0xce: {  	[dreg:$0x0] =	wrdreg $0xFFFFFFFF;
	(pc) =	sbr.abs _section_cstart, $3  }
0xcf: {  	[dreg:$0x1] =	wrdreg $0xFFFFFFFF  }
0xd0: {  	_ =	task.clear_ibuf [dreg:s22], $0x2FFFF;
	_ =	strace $0x9FFFFFFF  }
0xd1: {  	(tm) =	ssettm $0x7FFFFFFF  }
tec
execute0_lowered:
.L_overlay_start_1:
0x0: {  	(tag) =	ssettag $0x1  }
0x1: {  	s14 =	rddreg [dreg:$0x0]  }
0x2: {  	s1 =	srdreg.scid;
	s0 =	stileid.u32  }
0x3: {  	s3 =	rddreg [dreg:$0x1];
	s15 =	sand.u32 $0x1, s1;
	s4 =	sshll.u32 s0, $0x1  }
0x4: {  	s2 =	simm.s32 $0x0;
	s1 =	rddreg [dreg:$0x2];
	s16 =	sor.u32 s15, s4  }
0x5: {  	[smem:$0x7FF] =	sst s2;
	s4 =	sshll.u32 s16, $0x6  }
0x6: {  	_ =	strace $0x8000004A;
	s4 =	sadd.s32 s3, s4;
	s3 =	simm.s32 $0x2  }
0x7: {  	[tilespmem:s2], [sflag:$0x2] =	stream.linear.gather [hbm4b:s4+s2], $0x200, $0x38;
	[tilespmem:$0x4200] =	vst v63  }
0x8: {  	_ =	swait.ge [sflag:s3], $0x200  }
0x9: {  	s6 =	simm.s32 $0x80;
	[sflag:s3] =	ssyncset.done $0x0  }
0xa: {  	s7 =	simm.s32 $0x200;
	s5 =	sadd.s32 $0x10E00, s14;
	[sflag:s3] =	ssyncadd.s32 $0xFFFFFE00  }
0xb: {  	[tilespmem:s7], [sflag:$0x1] =	stream.indirect.gather [hbm4b:s5+s6], $0x20, s2, s6, $0xb8;
	[tilespmem:$0x4200] =	vst v63  }
0xc: {  	s8 =	simm.s32 $0x1200  }
0xd: {  	[tilespmem:s8], [sflag:$0x1] =	stream.indirect.gather [hbm4b:s5+s6], $0x20, s6, s6, $0xb8;
	[tilespmem:$0x4200] =	vst v63  }
0xe: {  	s9 =	simm.s32 $0x100;
	s10 =	simm.s32 $0x2200  }
0xf: {  	[tilespmem:s10], [sflag:$0x1] =	stream.indirect.gather [hbm4b:s5+s6], $0x20, s9, s6, $0xb8;
	[tilespmem:$0x4200] =	vst v63  }
0x10: {  	s11 =	simm.s32 $0x180;
	s12 =	simm.s32 $0x3200;
	s13 =	simm.s32 $0x1  }
0x11: {  	[tilespmem:s12], [sflag:$0x1] =	stream.indirect.gather [hbm4b:s5+s6], $0x20, s11, s6, $0xb8;
	[tilespmem:$0x4200] =	vst v63  }
0x12: {  	_ =	swait.ge [sflag:s13], $0x1000  }
0x13: {  	[sflag:s13] =	ssyncset.done $0x0  }
0x14: {  	[sflag:s13] =	ssyncadd.s32 $0xFFFFF000  }
0x15: {  	_ =	swait.ge [sflag:s13], $0x1000  }
0x16: {  	[sflag:s13] =	ssyncset.done $0x0  }
0x17: {  	s15 =	ssub.s32 $0x2, s15;
	[sflag:s13] =	ssyncadd.s32 $0xFFFFF000  }
0x18: {  	s17 =	sshrl.u32 s15, $0x1;
	_ =	swait.ge [sflag:s13], $0x1000  }
0x19: {  	s15 =	ssub.s32 s15, s17;
	[sflag:s13] =	ssyncset.done $0x0  }
0x1a: {  	s15 =	smax.u32 s15, $0x1;
	[sflag:s13] =	ssyncadd.s32 $0xFFFFF000  }
0x1b: {  	s16 =	sshll.u32 s16, $0xB;
	p0 =	sne.s32 s15, $0x1;
	_ =	swait.ge [sflag:s13], $0x1000  }
.Ltmp0:
0x1c: {  	s14 =	sadd.s32 s16, s14;
	[sflag:s13] =	ssyncset.done $0x0;
	(pc) =	sbr.rel @!p0 .LBB2_2-.Ltmp0, $4  }
0x1d: {  	s14 =	sadd.s32 $0x3E1800, s14;
	[sflag:s13] =	ssyncadd.s32 $0xFFFFF000  }
0x1e: {  	[hbm4b:s14+s2] =	stream.linear.scatter [tilespmem:s7], [sflag:$0x2], $0x4000, $0x38;
	[tilespmem:$0x4200] =	vst v63  }
0x1f: {  	_ =	swait.ge [sflag:s3], $0x4000  }
0x20: {  	s15 =	sadd.s32 $0xFFFFFFFF, s15;
	[sflag:s3] =	ssyncset.done $0x0  }
.LBB2_1:
0x21: {  	p0 =	sne.s32 s15, $0x1;
	s15 =	sadd.s32 $0xFFFFFFFF, s15;
	[sflag:s3] =	ssyncadd.s32 $0xFFFFC000  }
0x22: {  	[tilespmem:s2], [sflag:$0x2] =	stream.linear.gather [hbm4b:s4+s2], $0x200, $0x38;
	[tilespmem:$0x4200] =	vst v63  }
0x23: {  	_ =	swait.ge [sflag:s3], $0x200  }
0x24: {  	[sflag:s3] =	ssyncset.done $0x0  }
0x25: {  	[sflag:s3] =	ssyncadd.s32 $0xFFFFFE00  }
0x26: {  	[tilespmem:s7], [sflag:$0x1] =	stream.indirect.gather [hbm4b:s5+s6], $0x20, s2, s6, $0xb8;
	[tilespmem:$0x4200] =	vst v63  }
0x27: {  	_ = 	snop  }
0x28: {  	[tilespmem:s8], [sflag:$0x1] =	stream.indirect.gather [hbm4b:s5+s6], $0x20, s6, s6, $0xb8;
	[tilespmem:$0x4200] =	vst v63  }
0x29: {  	_ = 	snop  }
0x2a: {  	[tilespmem:s10], [sflag:$0x1] =	stream.indirect.gather [hbm4b:s5+s6], $0x20, s9, s6, $0xb8;
	[tilespmem:$0x4200] =	vst v63  }
0x2b: {  	_ = 	snop  }
0x2c: {  	[tilespmem:s12], [sflag:$0x1] =	stream.indirect.gather [hbm4b:s5+s6], $0x20, s11, s6, $0xb8;
	[tilespmem:$0x4200] =	vst v63  }
0x2d: {  	_ =	swait.ge [sflag:s13], $0x1000  }
0x2e: {  	[sflag:s13] =	ssyncset.done $0x0  }
0x2f: {  	[sflag:s13] =	ssyncadd.s32 $0xFFFFF000  }
0x30: {  	_ =	swait.ge [sflag:s13], $0x1000  }
0x31: {  	[sflag:s13] =	ssyncset.done $0x0  }
0x32: {  	[sflag:s13] =	ssyncadd.s32 $0xFFFFF000  }
0x33: {  	_ =	swait.ge [sflag:s13], $0x1000  }
0x34: {  	[sflag:s13] =	ssyncset.done $0x0  }
0x35: {  	[sflag:s13] =	ssyncadd.s32 $0xFFFFF000  }
0x36: {  	_ =	swait.ge [sflag:s13], $0x1000  }
.Ltmp1:
0x37: {  	[sflag:s13] =	ssyncset.done $0x0;
	(pc) =	sbr.rel @p0 .LBB2_1-.Ltmp1, $4  }
0x38: {  	[sflag:s13] =	ssyncadd.s32 $0xFFFFF000  }
0x39: {  	[hbm4b:s14+s2] =	stream.linear.scatter [tilespmem:s7], [sflag:$0x2], $0x4000, $0x38;
	[tilespmem:$0x4200] =	vst v63  }
0x3a: {  	_ =	swait.ge [sflag:s3], $0x4000  }
0x3b: {  	[sflag:s3] =	ssyncset.done $0x0  }
.LBB2_2:
0x3c: {  	[sflag:s3] =	ssyncadd.s32 $0xFFFFC000  }
0x3d: {  	_ =	sfence.sel $0x180000  }
0x3e: {  	[bflag:$0x0] =	sbarrier.arrive $0xFFFF  }
0x3f: {  	p0 =	sne.s32 s0, $0x0;
	_ =	strace $0x9000004A  }
0x40: {  	s0 =	sadd.s32 @!p0 $0x100000, s1;
	[bflag:$0x2] =	sbarrier.arrive $0xFFFF  }
0x41: {  	[sflag:s0] =	ssyncadd.tile.s32 @!p0 $0x1;
	_ =	shalt  }
.Lfunc_end2:
_tile_overlayer_lowered:
.L_overlay_start_2:
0x42: {  	(tag) =	ssettag $0x2  }
0x43: {  	s0 =	rddreg [dreg:$0x0];
	s2 =	stileid.u32  }
0x44: {  	s1 =	rddreg [dreg:$0x1];
	p0 =	sne.s32 s2, $0x0  }
0x45: {  	s3 =	rddreg [dreg:$0x2];
	[bflag:$0x3] =	sbarrier.arrive $0xFFFF;
	s2 =	simm.s32 @!p0 $0x1C02  }
0x46: {  	[timem:s3], [sflag:s2] =	dma.local @!p0 [hbm:s0], s1  }
0x47: {  	s0 =	simm.s32 @!p0 $0x2  }
0x48: {  	_ =	swait.ge @!p0 [sflag:s0], s1  }
0x49: {  	s1 =	ssub.s32 @!p0 $0x0, s1;
	[sflag:s0] =	ssyncset.done @!p0 $0x0  }
0x4a: {  	[sflag:s0] =	ssyncadd.s32 @!p0 s1  }
0x4b: {  	[bflag:$0x3] =	sbarrier.arrive $0xFFFF  }
0x4c: {  	_ =	shalt  }

// kernel: kernel.8.cloned.1.call-start
scs
__scs_entry_jumppad:
0x0: {  	(pc) =	sbr.rel $0x88, $3  }
0x1: {  	(tag) =	ssettag $0x0;
	lr =	simm.s32 $0x1  }
0x2: {  	[smem:$0x3F99] =	sst lr;
	_ =	strace $0xD0000000  }
0x3: {  	_ = 	snop  }
0x4: {  	_ = 	snop  }
0x5: {  	_ = 	snop  }
0x6: {  	_ = 	snop  }
0x7: {  	_ = 	snop  }
__scs_overlays_trampoline_lowered:
0x8: {  	[smem:$0x3FA8] =	sst s0  }
0x9: {  	[smem:$0x3FA9] =	sst s1  }
0xa: {  	[smem:$0x3FAA] =	sst s2  }
0xb: {  	[smem:$0x3FAB] =	sst s3  }
0xc: {  	[smem:$0x3FAC] =	sst s4  }
0xd: {  	[smem:$0x3FAD] =	sst s5  }
0xe: {  	[smem:$0x3FAE] =	sst s6  }
0xf: {  	[smem:$0x3FAF] =	sst s7  }
0x10: {  	[smem:$0x3FB0] =	sst s8  }
0x11: {  	[smem:$0x3FB1] =	sst s9;
	s0 =	simm.s32 @!p0 $0x0  }
0x12: {  	s1 =	sld [smem:$0x3F97];
	s0 =	simm.s32 @p0 $0x1  }
0x13: {  	[smem:$0x3FB2] =	sst s0;
	s0 =	simm.s32 @!p1 $0x0  }
0x14: {  	s2 =	sld [smem:$0x3F96];
	s0 =	simm.s32 @p1 $0x1  }
0x15: {  	[smem:$0x3FB3] =	sst s0;
	s0 =	simm.s32 @!p2 $0x0  }
0x16: {  	s3 =	sld [smem:$0x3FDB];
	s0 =	simm.s32 @p2 $0x1  }
0x17: {  	s4 =	simm.s32 $0x1BF5;
	[smem:$0x3FB5] =	sst s0  }
0x18: {  	s0 =	sld [smem:$0x3F98];
	_ =	swait.ge [sflag:s4], $0x0  }
0x19: {  	s7 =	sld [smem:$0x3F99]  }
0x1a: {  	s8 =	sadd.s32 $0xFFFFE003, lr  }
0x1b: {  	s9 =	sadd.s32 $0xFFFFFEF7, lr;
	s5 =	simm.s32 $0xFFFFFFFF;
	p2 =	slt.u32 s8, $0xFFFFF086  }
0x1c: {  	p1 =	slt.u32 s9, $0xF7A;
	s5 =	simm.s32 @!p2 $0x0  }
0x1d: {  	s5 =	simm.s32 @p1 $0x1;
	p0 =	seq.s32 s7, s2  }
0x1e: {  	s7 =	smul.u32 @!p0 $0xF7A, s2;
	p2 =	seq.s32 @!p0 s5, $0x0  }
0x1f: {  	s9 =	smul.u32 $0xF7A, s1;
	s8 =	simm.s32 @!p0 $0x1BF5;
	p2 =	por !p2, p0  }
0x20: {  	[sflag:s8] =	ssyncset.s32 @!p0 $0xFFFFF086;
	s6 =	sadd.s32 @!p0 s3, s7;
	s7 =	simm.s32 @!p0 $0x108  }
0x21: {  	s3 =	sadd.s32 s3, s9;
	s6 =	sadd.s32 @!p0 $0x88, s6;
	s7 =	simm.s32 @p2 $0x1082  }
0x22: {  	[simem:s7], [sflag:s8] =	dma.local @!p0 [hbm:s6], $0xF7A  }
0x23: {  	s9 =	sor.u32 $0xD0000000, s2;
	s6 =	simm.s32 $0x108;
	_ =	swait.ge @!p0 [sflag:s8], $0x0  }
0x24: {  	s3 =	sadd.s32 $0x88, s3;
	s6 =	simm.s32 @!p1 $0x1082;
	[sflag:s4] =	ssyncset.s32 $0xFFFFF086  }
0x25: {  	[simem:s6], [sflag:s4] =	dma.local [hbm:s3], $0xF7A  }
0x26: {  	[smem:$0x3F99] =	sst s1;
	(tag) =	ssettag s2;
	_ =	strace s9  }
0x27: {  	s1 =	sld [smem:$0x3FA9]  }
0x28: {  	s2 =	sld [smem:$0x3FAA]  }
0x29: {  	s4 =	sld [smem:$0x3FAC]  }
0x2a: {  	p0 =	seq.s32 s5, $0x0;
	s5 =	sld [smem:$0x3FAD]  }
0x2b: {  	s6 =	sld [smem:$0x3FAE]  }
0x2c: {  	s7 =	sld [smem:$0x3FAF]  }
0x2d: {  	s3 =	simm.s32 $0x108;
	s8 =	sld [smem:$0x3FB0]  }
0x2e: {  	s3 =	simm.s32 @!p0 $0x1082;
	s9 =	sld [smem:$0x3FB1]  }
0x2f: {  	lr =	sadd.s32 s0, s3;
	s0 =	sld [smem:$0x3FA8]  }
0x30: {  	s3 =	sld [smem:$0x3FAB]  }
0x31: {  	[smem:$0x3FB4] =	sst s10  }
0x32: {  	s10 =	sld [smem:$0x3FB2];
	_ =	sdelay $0x3  }
0x33: {  	p0 =	seq.s32 s10, $0x1;
	s10 =	sld [smem:$0x3FB4];
	_ =	sdelay $0x3  }
0x34: {  	[smem:$0x3FB4] =	sst s10  }
0x35: {  	s10 =	sld [smem:$0x3FB3];
	_ =	sdelay $0x3  }
0x36: {  	p1 =	seq.s32 s10, $0x1;
	s10 =	sld [smem:$0x3FB4];
	_ =	sdelay $0x3  }
0x37: {  	[smem:$0x3FB4] =	sst s10  }
0x38: {  	s10 =	sld [smem:$0x3FB5]  }
0x39: {  	_ = 	snop;
	(pc) =	sbr.ind lr, $3  }
0x3a: {  	_ = 	snop  }
0x3b: {  	_ = 	snop  }
0x3c: {  	p2 =	seq.s32 s10, $0x1;
	s10 =	sld [smem:$0x3FB4]  }
0x3d: {  	_ =	shalt  }
0x3e: {  	_ =	shalt  }
0x3f: {  	_ =	shalt  }
0x40: {  	_ =	shalt  }
0x41: {  	_ =	shalt  }
0x42: {  	_ =	shalt  }
0x43: {  	_ =	shalt  }
0x44: {  	_ =	shalt  }
0x45: {  	_ =	shalt  }
0x46: {  	_ =	shalt  }
0x47: {  	_ =	shalt  }
0x48: {  	_ =	shalt  }
0x49: {  	_ =	shalt  }
0x4a: {  	_ =	shalt  }
0x4b: {  	_ =	shalt  }
0x4c: {  	_ =	shalt  }
0x4d: {  	_ =	shalt  }
0x4e: {  	_ =	shalt  }
0x4f: {  	_ =	shalt  }
0x50: {  	_ =	shalt  }
0x51: {  	_ =	shalt  }
0x52: {  	_ =	shalt  }
0x53: {  	_ =	shalt  }
0x54: {  	_ =	shalt  }
0x55: {  	_ =	shalt  }
0x56: {  	_ =	shalt  }
0x57: {  	_ =	shalt  }
0x58: {  	_ =	shalt  }
0x59: {  	_ =	shalt  }
0x5a: {  	_ =	shalt  }
0x5b: {  	_ =	shalt  }
0x5c: {  	_ =	shalt  }
0x5d: {  	_ =	shalt  }
0x5e: {  	_ =	shalt  }
0x5f: {  	_ =	shalt  }
0x60: {  	_ =	shalt  }
0x61: {  	_ =	shalt  }
0x62: {  	_ =	shalt  }
0x63: {  	_ =	shalt  }
0x64: {  	_ =	shalt  }
0x65: {  	_ =	shalt  }
0x66: {  	_ =	shalt  }
0x67: {  	_ =	shalt  }
0x68: {  	_ =	shalt  }
0x69: {  	_ =	shalt  }
0x6a: {  	_ =	shalt  }
0x6b: {  	_ =	shalt  }
0x6c: {  	_ =	shalt  }
0x6d: {  	_ =	shalt  }
0x6e: {  	_ =	shalt  }
0x6f: {  	_ =	shalt  }
0x70: {  	_ =	shalt  }
0x71: {  	_ =	shalt  }
0x72: {  	_ =	shalt  }
0x73: {  	_ =	shalt  }
0x74: {  	_ =	shalt  }
0x75: {  	_ =	shalt  }
0x76: {  	_ =	shalt  }
0x77: {  	_ =	shalt  }
0x78: {  	_ =	shalt  }
0x79: {  	_ =	shalt  }
0x7a: {  	_ =	shalt  }
0x7b: {  	_ =	shalt  }
0x7c: {  	_ =	shalt  }
0x7d: {  	_ =	shalt  }
0x7e: {  	_ =	shalt  }
0x7f: {  	_ =	shalt  }
0x80: {  	_ =	shalt  }
0x81: {  	_ =	shalt  }
0x82: {  	_ =	shalt  }
0x83: {  	_ =	shalt  }
0x84: {  	_ =	shalt  }
0x85: {  	_ =	shalt  }
0x86: {  	_ =	shalt  }
0x87: {  	_ =	shalt  }
.Lfunc_end0:
.L_simem_size_0:
called_computation.1_lowered:
.L_overlay_start_0:
0x88: {  	s2 =	sld [smem:$0x3FD9]  }
0x89: {  	s3 =	sld [smem:$0x3FFE];
	_ =	sdelay $0x1  }
0x8a: {  	s1 =	srdreg.scid  }
0x8b: {  	s0 =	sand.u32 $0x1, s1  }
0x8c: {  	s17 =	sshll.u32 s0, $0xA;
	s2 =	sadd.s32 s3, s2  }
0x8d: {  	s2 =	sadd.s32 s2, s17  }
0x8e: {  	[smem:$0x3FC0] =	sst s2  }
0x8f: {  	_ = 	snop  }
0x90: {  	s2 =	sld [smem:$0x3FC8];
	(tm) =	ssettm $0x1  }
0x91: {  	s18 =	sld [smem:$0x3FFB];
	_ =	sdelay $0x3  }
0x92: {  	_ =	strace s18  }
0x93: {  	s3 =	sld [smem:$0x3FFC];
	_ =	sdelay $0x3  }
0x94: {  	_ =	strace s3  }
0x95: {  	s3 =	sld [smem:$0x3FFD];
	_ =	sdelay $0x3  }
0x96: {  	_ =	strace s3  }
0x97: {  	_ =	strace $0x8FFFFFFF  }
0x98: {  	s19 =	sld [smem:$0x3FDB];
	_ =	sdelay $0x1  }
0x99: {  	s4 =	simm.s32 $_scs_section_size  }
0x9a: {  	s5 =	simm.s32 $_size__tile_overlayer_lowered;
	s6 =	simm.s32 $_tile_overlayer_lowered  }
0x9b: {  	s22 =	simm.s32 $0x1BFF;
	s21 =	sshll.u32 s6, $0x1;
	s3 =	sadd.s32 s4, s19  }
0x9c: {  	s7 =	simm.s32 $0x0;
	s20 =	sshll.u32 s5, $0x1;
	s5 =	sadd.s32 s21, s3  }
0x9d: {  	[timem:s7], [sflag:s22] =	dma.local [hbm:s5], s20  }
0x9e: {  	_ =	swait.ge [sflag:s22], s20  }
0x9f: {  	s4 =	ssub.s32 $0x0, s20;
	[sflag:s22] =	ssyncset.done $0x0  }
0xa0: {  	[sflag:s22] =	ssyncadd.s32 s4;
	_ =	sdelay $0x1  }
0xa1: {  	s23 =	simm.s32 $0x1B8B  }
0xa2: {  	_ =	swait.ge [sflag:s23], $0x1  }
0xa3: {  	[sflag:s23] =	ssyncset.done $0x0  }
0xa4: {  	s25 =	simm.s32 $0x1B8E;
	s24 =	sld [smem:$0x3FFE];
	[sflag:s23] =	ssyncadd.s32 $0xFFFFFFFF  }
0xa5: {  	s26 =	simm.s32 $execute0_lowered;
	[smem:$0x3FD2] =	sst s25  }
0xa6: {  	s5 =	sshll.u32 s26, $0x1;
	_ =	strace $0x80000046;
	[dreg:$0x1] =	wrdreg $0xFFFFFFFF  }
0xa7: {  	s28 =	simm.s32 $_size_execute0_lowered;
	s3 =	sadd.s32 s3, s5;
	[dreg:$0x0] =	wrdreg $0x0  }
0xa8: {  	s5 =	sshll.u32 s28, $0x1;
	[dreg:$0x2] =	wrdreg s3  }
0xa9: {  	[dreg:$0x3] =	wrdreg s5  }
0xaa: {  	[dreg:$0x4] =	wrdreg $0xC0  }
0xab: {  	_ =	task [dreg:s7], $0x5FFFF  }
0xac: {  	[dreg:$0x1] =	wrdreg $0xFFFFFFFF  }
0xad: {  	[dreg:$0x0] =	wrdreg $0x60  }
0xae: {  	[dreg:$0x2] =	wrdreg s24  }
0xaf: {  	[dreg:$0x3] =	wrdreg s2  }
0xb0: {  	[dreg:$0x4] =	wrdreg $0xA  }
0xb1: {  	_ =	task.clear_ibuf [dreg:s7], $0x5FFFF;
	_ =	strace $0x90000046  }
0xb2: {  	s29 =	simm.s32 $0xA;
	_ =	strace $0x80000048  }
0xb3: {  	_ =	swait.ge [sflag:s29], $0x1  }
0xb4: {  	[sflag:s29] =	ssyncadd.s32 $0xFFFFFFFF  }
0xb5: {  	_ =	strace $0x90000048  }
0xb6: {  	_ =	sfence  }
0xb7: {  	s30 =	sld [smem:$0x0];
	_ =	sdelay $0x2  }
0xb8: {  	s31 =	sshll.u32 s1, $0xD;
	s1 =	sshrl.u32 s1, $0x2  }
0xb9: {  	s3 =	sand.u32 $0x4000, s31;
	s1 =	sadd.s32 s1, s30  }
0xba: {  	s0 =	sor.u32 s3, s0;
	s1 =	sshll.u32 s1, $0x11  }
0xbb: {  	s0 =	sor.u32 s1, s0  }
0xbc: {  	s0 =	sadd.s32 $0x8F2B, s0  }
0xbd: {  	[sflag:s0] =	ssyncadd.remote.s32 $0x1  }
0xbe: {  	_ =	sfence.sel $0xFFFF  }
0xbf: {  	[dreg:$0x0] =	wrdreg $0xFFFFFFFF;
	(pc) =	sbr.abs _section_cstart, $3  }
0xc0: {  	[dreg:$0x1] =	wrdreg $0xFFFFFFFF  }
0xc1: {  	_ =	task.clear_ibuf [dreg:s7], $0x2FFFF;
	_ =	strace $0x9FFFFFFF  }
0xc2: {  	(tm) =	ssettm $0x7FFFFFFF  }
0xc3: {  	_ =	shalt  }
tec
execute0_lowered:
.L_overlay_start_1:
0x0: {  	(tag) =	ssettag $0x1  }
0x1: {  	s14 =	rddreg [dreg:$0x0]  }
0x2: {  	s1 =	srdreg.scid;
	s0 =	stileid.u32  }
0x3: {  	s3 =	rddreg [dreg:$0x1];
	s15 =	sand.u32 $0x1, s1;
	s4 =	sshll.u32 s0, $0x1  }
0x4: {  	s2 =	simm.s32 $0x0;
	s1 =	rddreg [dreg:$0x2];
	s16 =	sor.u32 s15, s4  }
0x5: {  	[smem:$0x7FF] =	sst s2;
	s4 =	sshll.u32 s16, $0x6  }
0x6: {  	_ =	strace $0x80000047;
	s4 =	sadd.s32 s3, s4;
	s3 =	simm.s32 $0x2  }
0x7: {  	[tilespmem:s2], [sflag:$0x2] =	stream.linear.gather [hbm4b:s4+s2], $0x200, $0x38;
	[tilespmem:$0x4200] =	vst v63  }
0x8: {  	_ =	swait.ge [sflag:s3], $0x200  }
0x9: {  	s6 =	simm.s32 $0x80;
	[sflag:s3] =	ssyncset.done $0x0  }
0xa: {  	s7 =	simm.s32 $0x200;
	s5 =	sadd.s32 $0xF43200, s14;
	[sflag:s3] =	ssyncadd.s32 $0xFFFFFE00  }
0xb: {  	[tilespmem:s7], [sflag:$0x1] =	stream.indirect.gather [hbm4b:s5+s6], $0x20, s2, s6, $0xb8;
	[tilespmem:$0x4200] =	vst v63  }
0xc: {  	s8 =	simm.s32 $0x1200  }
0xd: {  	[tilespmem:s8], [sflag:$0x1] =	stream.indirect.gather [hbm4b:s5+s6], $0x20, s6, s6, $0xb8;
	[tilespmem:$0x4200] =	vst v63  }
0xe: {  	s9 =	simm.s32 $0x100;
	s10 =	simm.s32 $0x2200  }
0xf: {  	[tilespmem:s10], [sflag:$0x1] =	stream.indirect.gather [hbm4b:s5+s6], $0x20, s9, s6, $0xb8;
	[tilespmem:$0x4200] =	vst v63  }
0x10: {  	s11 =	simm.s32 $0x180;
	s12 =	simm.s32 $0x3200;
	s13 =	simm.s32 $0x1  }
0x11: {  	[tilespmem:s12], [sflag:$0x1] =	stream.indirect.gather [hbm4b:s5+s6], $0x20, s11, s6, $0xb8;
	[tilespmem:$0x4200] =	vst v63  }
0x12: {  	_ =	swait.ge [sflag:s13], $0x1000  }
0x13: {  	[sflag:s13] =	ssyncset.done $0x0  }
0x14: {  	[sflag:s13] =	ssyncadd.s32 $0xFFFFF000  }
0x15: {  	_ =	swait.ge [sflag:s13], $0x1000  }
0x16: {  	[sflag:s13] =	ssyncset.done $0x0  }
0x17: {  	s15 =	ssub.s32 $0x2, s15;
	[sflag:s13] =	ssyncadd.s32 $0xFFFFF000  }
0x18: {  	s17 =	sshrl.u32 s15, $0x1;
	_ =	swait.ge [sflag:s13], $0x1000  }
0x19: {  	s15 =	ssub.s32 s15, s17;
	[sflag:s13] =	ssyncset.done $0x0  }
0x1a: {  	s15 =	smax.u32 s15, $0x1;
	[sflag:s13] =	ssyncadd.s32 $0xFFFFF000  }
0x1b: {  	s16 =	sshll.u32 s16, $0xB;
	p0 =	sne.s32 s15, $0x1;
	_ =	swait.ge [sflag:s13], $0x1000  }
.Ltmp0:
0x1c: {  	s14 =	sadd.s32 s16, s14;
	[sflag:s13] =	ssyncset.done $0x0;
	(pc) =	sbr.rel @!p0 .LBB2_2-.Ltmp0, $4  }
0x1d: {  	s14 =	sadd.s32 $0xE00, s14;
	[sflag:s13] =	ssyncadd.s32 $0xFFFFF000  }
0x1e: {  	[hbm4b:s14+s2] =	stream.linear.scatter [tilespmem:s7], [sflag:$0x2], $0x4000, $0x38;
	[tilespmem:$0x4200] =	vst v63  }
0x1f: {  	_ =	swait.ge [sflag:s3], $0x4000  }
0x20: {  	s15 =	sadd.s32 $0xFFFFFFFF, s15;
	[sflag:s3] =	ssyncset.done $0x0  }
.LBB2_1:
0x21: {  	p0 =	sne.s32 s15, $0x1;
	s15 =	sadd.s32 $0xFFFFFFFF, s15;
	[sflag:s3] =	ssyncadd.s32 $0xFFFFC000  }
0x22: {  	[tilespmem:s2], [sflag:$0x2] =	stream.linear.gather [hbm4b:s4+s2], $0x200, $0x38;
	[tilespmem:$0x4200] =	vst v63  }
0x23: {  	_ =	swait.ge [sflag:s3], $0x200  }
0x24: {  	[sflag:s3] =	ssyncset.done $0x0  }
0x25: {  	[sflag:s3] =	ssyncadd.s32 $0xFFFFFE00  }
0x26: {  	[tilespmem:s7], [sflag:$0x1] =	stream.indirect.gather [hbm4b:s5+s6], $0x20, s2, s6, $0xb8;
	[tilespmem:$0x4200] =	vst v63  }
0x27: {  	_ = 	snop  }
0x28: {  	[tilespmem:s8], [sflag:$0x1] =	stream.indirect.gather [hbm4b:s5+s6], $0x20, s6, s6, $0xb8;
	[tilespmem:$0x4200] =	vst v63  }
0x29: {  	_ = 	snop  }
0x2a: {  	[tilespmem:s10], [sflag:$0x1] =	stream.indirect.gather [hbm4b:s5+s6], $0x20, s9, s6, $0xb8;
	[tilespmem:$0x4200] =	vst v63  }
0x2b: {  	_ = 	snop  }
0x2c: {  	[tilespmem:s12], [sflag:$0x1] =	stream.indirect.gather [hbm4b:s5+s6], $0x20, s11, s6, $0xb8;
	[tilespmem:$0x4200] =	vst v63  }
0x2d: {  	_ =	swait.ge [sflag:s13], $0x1000  }
0x2e: {  	[sflag:s13] =	ssyncset.done $0x0  }
0x2f: {  	[sflag:s13] =	ssyncadd.s32 $0xFFFFF000  }
0x30: {  	_ =	swait.ge [sflag:s13], $0x1000  }
0x31: {  	[sflag:s13] =	ssyncset.done $0x0  }
0x32: {  	[sflag:s13] =	ssyncadd.s32 $0xFFFFF000  }
0x33: {  	_ =	swait.ge [sflag:s13], $0x1000  }
0x34: {  	[sflag:s13] =	ssyncset.done $0x0  }
0x35: {  	[sflag:s13] =	ssyncadd.s32 $0xFFFFF000  }
0x36: {  	_ =	swait.ge [sflag:s13], $0x1000  }
.Ltmp1:
0x37: {  	[sflag:s13] =	ssyncset.done $0x0;
	(pc) =	sbr.rel @p0 .LBB2_1-.Ltmp1, $4  }
0x38: {  	[sflag:s13] =	ssyncadd.s32 $0xFFFFF000  }
0x39: {  	[hbm4b:s14+s2] =	stream.linear.scatter [tilespmem:s7], [sflag:$0x2], $0x4000, $0x38;
	[tilespmem:$0x4200] =	vst v63  }
0x3a: {  	_ =	swait.ge [sflag:s3], $0x4000  }
0x3b: {  	[sflag:s3] =	ssyncset.done $0x0  }
.LBB2_2:
0x3c: {  	[sflag:s3] =	ssyncadd.s32 $0xFFFFC000  }
0x3d: {  	_ =	sfence.sel $0x180000  }
0x3e: {  	[bflag:$0x0] =	sbarrier.arrive $0xFFFF  }
0x3f: {  	p0 =	sne.s32 s0, $0x0;
	_ =	strace $0x90000047  }
0x40: {  	s0 =	sadd.s32 @!p0 $0x100000, s1;
	[bflag:$0x2] =	sbarrier.arrive $0xFFFF  }
0x41: {  	[sflag:s0] =	ssyncadd.tile.s32 @!p0 $0x1;
	_ =	shalt  }
.Lfunc_end2:
_tile_overlayer_lowered:
.L_overlay_start_2:
0x42: {  	(tag) =	ssettag $0x2  }
0x43: {  	s0 =	rddreg [dreg:$0x0];
	s2 =	stileid.u32  }
0x44: {  	s1 =	rddreg [dreg:$0x1];
	p0 =	sne.s32 s2, $0x0  }
0x45: {  	s3 =	rddreg [dreg:$0x2];
	[bflag:$0x3] =	sbarrier.arrive $0xFFFF;
	s2 =	simm.s32 @!p0 $0x1C02  }
0x46: {  	[timem:s3], [sflag:s2] =	dma.local @!p0 [hbm:s0], s1  }
0x47: {  	s0 =	simm.s32 @!p0 $0x2  }
0x48: {  	_ =	swait.ge @!p0 [sflag:s0], s1  }
0x49: {  	s1 =	ssub.s32 @!p0 $0x0, s1;
	[sflag:s0] =	ssyncset.done @!p0 $0x0  }
0x4a: {  	[sflag:s0] =	ssyncadd.s32 @!p0 s1  }
0x4b: {  	[bflag:$0x3] =	sbarrier.arrive $0xFFFF  }
0x4c: {  	_ =	shalt  }

</sc_bundles>
